<compile_context>
chip_gen: v7x
topology: tpu7x:2x2x1
jax: 0.10.2.dev20260603
libtpu: 0.0.44.dev20260713+nightly
codegen_flags: <defaults>
</compile_context>

<pallas_src>
import functools

import jax
import jax.numpy as jnp
from jax import lax
from jax.experimental import pallas as pl
from jax.experimental.pallas import tpu as pltpu
from jax.experimental.pallas import tpu_sc as plsc

N = 10000
E = 320000
D = 128

NC, NS, L = 2, 16, 16
NW = NC * NS
EPW = E // NW
CHUNK = 40
NCHUNK = EPW // CHUNK
NP = 10240
RPT = NP // NS
NBUF = 5
SB = 50
NSB = NCHUNK // SB
NG = SB // NBUF

_mesh = plsc.VectorSubcoreMesh(core_axis_name="c", subcore_axis_name="s")
_sc_params = pltpu.CompilerParams(needs_layout_passes=False)


@functools.partial(
    pl.kernel,
    out_type=jax.ShapeDtypeStruct((NW * N,), jnp.float32),
    mesh=_mesh,
    scratch_types=[
        pltpu.VMEM((EPW,), jnp.int32),
        pltpu.VMEM((N,), jnp.float32),
    ],
    compiler_params=_sc_params,
)
def _deg_kernel(dst_hbm, out_hbm, idx_v, cnt_v):
    cid = lax.axis_index("c")
    sid = lax.axis_index("s")
    wid = sid * NC + cid
    pltpu.sync_copy(dst_hbm.at[pl.ds(wid * EPW, EPW)], idx_v)

    def zero_body(i, c):
        cnt_v[pl.ds(i * L, L)] = jnp.zeros((L,), jnp.float32)
        return c

    lax.fori_loop(0, N // L, zero_body, 0)

    ones = jnp.ones((L,), jnp.float32)

    def scat_body(i, c):
        idx = idx_v[pl.ds(i * L, L)]
        plsc.addupdate_scatter(cnt_v, [idx], ones)
        return c

    lax.fori_loop(0, EPW // L, scat_body, 0)
    pltpu.sync_copy(cnt_v, out_hbm.at[pl.ds(wid * N, N)])


def _prep_body(x_ref, w_ref, cnt_ref, hs_ref, dinv_ref):
    deg = jnp.sum(cnt_ref[...], axis=0) + 1.0
    dinv = lax.rsqrt(deg)
    h = jnp.dot(x_ref[...], w_ref[...], preferred_element_type=jnp.float32)
    hs_ref[...] = h * dinv[:, None]
    dinv_ref[...] = dinv[:, None]


_prep_kernel = pl.pallas_call(
    _prep_body,
    out_shape=(
        jax.ShapeDtypeStruct((N, D), jnp.float32),
        jax.ShapeDtypeStruct((N, 1), jnp.float32),
    ),
)


@functools.partial(
    pl.kernel,
    out_type=jax.ShapeDtypeStruct((NC, NP, D), jnp.float32),
    mesh=_mesh,
    scratch_types=[
        pltpu.VMEM((SB, CHUNK), jnp.int32),
        pltpu.VMEM((SB, CHUNK), jnp.int32),
    ] + [pltpu.VMEM((CHUNK, D), jnp.float32)] * NBUF
      + [pltpu.SemaphoreType.DMA] * NBUF
      + [pltpu.VMEM_SHARED((NP, D), jnp.float32)],
    compiler_params=_sc_params,
)
def _agg_kernel(hs_hbm, src_hbm, dst_hbm, acc_hbm,
                src_idx, dst_idx, r0, r1, r2, r3, r4,
                s0, s1, s2, s3, s4, acc_sh):
    cid = lax.axis_index("c")
    sid = lax.axis_index("s")
    wid = sid * NC + cid
    rows = [r0, r1, r2, r3, r4]
    sems = [s0, s1, s2, s3, s4]

    def zero_rows(i, c):
        r0[i // (D // L), pl.ds((i % (D // L)) * L, L)] = (
            jnp.zeros((L,), jnp.float32))
        return c

    lax.fori_loop(0, CHUNK * (D // L), zero_rows, 0)

    def zero_acc(j, c):
        pltpu.sync_copy(r0, acc_sh.at[pl.ds(sid * RPT + j * CHUNK, CHUNK)])
        return c

    lax.fori_loop(0, RPT // CHUNK, zero_acc, 0)
    plsc.subcore_barrier()

    def superblock(sb, carry):
        pltpu.sync_copy(src_hbm.at[wid, sb], src_idx)
        pltpu.sync_copy(dst_hbm.at[wid, sb], dst_idx)
        for b in range(NBUF):
            pltpu.async_copy(hs_hbm.at[src_idx.at[b]], rows[b], sems[b])

        def turn(g, c):
            c0 = g * NBUF
            for b in range(NBUF):
                pltpu.make_async_copy(hs_hbm.at[src_idx.at[c0 + b]], rows[b],
                                      sems[b]).wait()
                pltpu.sync_copy(rows[b], acc_sh.at[dst_idx.at[c0 + b]],
                                add=True)

                @pl.when(g < NG - 1)
                def _():
                    pltpu.async_copy(hs_hbm.at[src_idx.at[c0 + b + NBUF]],
                                     rows[b], sems[b])

            return c

        lax.fori_loop(0, NG, turn, 0)
        return carry

    lax.fori_loop(0, NSB, superblock, 0)
    plsc.subcore_barrier()
    pltpu.sync_copy(acc_sh.at[pl.ds(sid * RPT, RPT)],
                    acc_hbm.at[cid, pl.ds(sid * RPT, RPT)])


def _post_body(acc_ref, hs_ref, dinv_ref, b_ref, g_ref, be_ref, out_ref):
    a0 = acc_ref[0, pl.ds(0, N), :]
    a1 = acc_ref[1, pl.ds(0, N), :]
    pre = (a0 + a1 + hs_ref[...]) * dinv_ref[...] + b_ref[...]
    pre = jnp.where(pre >= 0.0, pre, 0.01 * pre)
    mean = jnp.mean(pre, axis=0, keepdims=True)
    var = jnp.mean((pre - mean) ** 2, axis=0, keepdims=True)
    out_ref[...] = (pre - mean) * lax.rsqrt(var + 1e-5) * g_ref[...] + be_ref[...]


_post_kernel = pl.pallas_call(
    _post_body,
    out_shape=jax.ShapeDtypeStruct((N, D), jnp.float32),
)


def kernel(x, edge_index, W, b, gamma, beta):
    src = edge_index[0]
    dst = edge_index[1]
    cnt = _deg_kernel(dst).reshape(NW, N)
    hs, dinv = _prep_kernel(x, W, cnt)
    acc = _agg_kernel(hs,
                      src.reshape(NW, NSB, SB, CHUNK),
                      dst.reshape(NW, NSB, SB, CHUNK))
    return _post_kernel(acc, hs, dinv,
                        b.reshape(1, D), gamma.reshape(1, D),
                        beta.reshape(1, D))

# --- scband reference (transcript-rebuilt; emitter-appended) ---
"""Pipeline reference for scband-graph-conv-block-25950192402911 (READ-ONLY COPY).

The authoritative reference and input builder live on the scoring server;
editing this copy changes nothing except your own understanding.
"""

import jax, jax.numpy as jnp
import numpy as np

N = 10000
E = 320000
D_IN = 128
D_OUT = 128

def setup_inputs(seed: int = 0) -> dict:
    key = jax.random.key(seed)
    k1, k2, k3, k4 = jax.random.split(key, 4)
    x = jax.random.normal(k1, (N, D_IN), dtype=jnp.float32)
    edge_index = jax.random.randint(k2, (2, E), 0, N, dtype=jnp.int32)
    # GCNConv weight (glorot) and bias
    limit = np.sqrt(6.0 / (D_IN + D_OUT))
    W = jax.random.uniform(k3, (D_IN, D_OUT), dtype=jnp.float32, minval=-limit, maxval=limit)
    b = jnp.zeros((D_OUT,), dtype=jnp.float32)
    # BatchNorm affine params
    gamma = jnp.ones((D_OUT,), dtype=jnp.float32)
    beta = jnp.zeros((D_OUT,), dtype=jnp.float32)
    return {"x": x, "edge_index": edge_index, "W": W, "b": b, "gamma": gamma, "beta": beta}

def reference(x, edge_index, W, b, gamma, beta):
    n = x.shape[0]
    loop = jnp.arange(n, dtype=edge_index.dtype)
    # GCNConv: add self-loops
    src = jnp.concatenate([edge_index[0], loop])
    dst = jnp.concatenate([edge_index[1], loop])
    # symmetric normalization deg^{-1/2} A_hat deg^{-1/2}
    deg = jax.ops.segment_sum(jnp.ones_like(dst, dtype=x.dtype), dst, num_segments=n)
    dinv = jnp.where(deg > 0, deg ** -0.5, 0.0)
    norm = dinv[src] * dinv[dst]
    h = x @ W
    msgs = h[src] * norm[:, None]
    out = jax.ops.segment_sum(msgs, dst, num_segments=n) + b
    # LeakyReLU (default negative_slope=0.01)
    out = jnp.where(out >= 0, out, 0.01 * out)
    # BatchNorm over nodes (training-mode batch statistics, eps=1e-5)
    mean = jnp.mean(out, axis=0)
    var = jnp.var(out, axis=0)
    out = (out - mean) / jnp.sqrt(var + 1e-5) * gamma + beta
    # dropout in eval mode -> identity
    return out

if __name__ == "__main__":
    import jax
    _d = setup_inputs()
    print(jax.jit(kernel)(*tuple(_d.values())))

</pallas_src>

<mosaic_0001>
#map = affine_map<(d0, d1) -> (0, 0)>
#map1 = affine_map<(d0, d1) -> (0, 0, 0, 0)>
#map2 = affine_map<(d0, d1) -> (0, 0, 0)>
module attributes {stable_mosaic.version = 14 : i64} {
  func.func @_agg_kernel(%arg0: i32, %arg1: i32, %arg2: memref<10000x128xf32, #tpu.memory_space<hbm>>, %arg3: memref<32x5x50x40xi32, #tpu.memory_space<hbm>>, %arg4: memref<32x5x50x40xi32, #tpu.memory_space<hbm>>, %arg5: memref<2x10240x128xf32, #tpu.memory_space<hbm>>, %arg6: memref<50x40xi32, #tpu.memory_space<vmem>>, %arg7: memref<50x40xi32, #tpu.memory_space<vmem>>, %arg8: memref<40x128xf32, #tpu.memory_space<vmem>>, %arg9: memref<40x128xf32, #tpu.memory_space<vmem>>, %arg10: memref<40x128xf32, #tpu.memory_space<vmem>>, %arg11: memref<40x128xf32, #tpu.memory_space<vmem>>, %arg12: memref<40x128xf32, #tpu.memory_space<vmem>>, %arg13: memref<!tpu.dma_semaphore, #tpu.memory_space<semaphore_mem>>, %arg14: memref<!tpu.dma_semaphore, #tpu.memory_space<semaphore_mem>>, %arg15: memref<!tpu.dma_semaphore, #tpu.memory_space<semaphore_mem>>, %arg16: memref<!tpu.dma_semaphore, #tpu.memory_space<semaphore_mem>>, %arg17: memref<!tpu.dma_semaphore, #tpu.memory_space<semaphore_mem>>, %arg18: memref<10240x128xf32, #tpu.memory_space<vmem_shared>>) attributes {dimension_semantics = [#tpu.dimension_semantics<core_parallel>, #tpu.dimension_semantics<subcore_parallel>], iteration_bounds = array<i64: 2, 16>, scalar_prefetch = 0 : i64, scratch_operands = 13 : i64, tpu.core_type = #tpu.core_type<sc_vector_subcore>, window_params = [{transform_indices = #map}, {transform_indices = #map1}, {transform_indices = #map1}, {transform_indices = #map2}]} {
    %mul3A = arith.constant 2 : i32
    %mul3A_0 = arith.muli %arg1, %mul3A : i32
    %add3A = arith.addi %mul3A_0, %arg0 : i32
    %scan3A = arith.constant 0 : i32
    %scan3A_1 = arith.constant 0 : i32
    %scan3A_2 = arith.constant 320 : i32
    %scan3A_3 = arith.addi %scan3A_1, %scan3A_2 : i32
    %scan3A_4 = arith.constant 1 : i32
    scf.for %scan3A_23 = %scan3A_1 to %scan3A_3 step %scan3A_4  : i32 {
      %broadcast_in_dim3A = arith.constant 0.000000e+00 : f32
      %broadcast_in_dim3A_24 = vector.broadcast %broadcast_in_dim3A : f32 to vector<16xf32>
      %jit3A = arith.constant 8 : i32
      %div3A = arith.divsi %scan3A_23, %jit3A : i32
      %sign3A = arith.constant 0 : i32
      %sign3A_25 = arith.cmpi sgt, %scan3A_23, %sign3A : i32
      %sign3A_26 = arith.extui %sign3A_25 : i1 to i32
      %sign3A_27 = arith.constant 0 : i32
      %sign3A_28 = arith.cmpi slt, %scan3A_23, %sign3A_27 : i32
      %sign3A_29 = arith.extui %sign3A_28 : i1 to i32
      %sign3A_30 = arith.subi %sign3A_26, %sign3A_29 : i32
      %sign3A_31 = arith.constant 0 : i32
      %sign3A_32 = arith.cmpi sgt, %jit3A, %sign3A_31 : i32
      %sign3A_33 = arith.extui %sign3A_32 : i1 to i32
      %sign3A_34 = arith.constant 0 : i32
      %sign3A_35 = arith.cmpi slt, %jit3A, %sign3A_34 : i32
      %sign3A_36 = arith.extui %sign3A_35 : i1 to i32
      %sign3A_37 = arith.subi %sign3A_33, %sign3A_36 : i32
      %ne3A = arith.cmpi ne, %sign3A_30, %sign3A_37 : i32
      %rem3A = arith.remsi %scan3A_23, %jit3A : i32
      %ne3A_38 = arith.constant 0 : i32
      %ne3A_39 = arith.cmpi ne, %rem3A, %ne3A_38 : i32
      %and3A = arith.andi %ne3A, %ne3A_39 : i1
      %sub3A = arith.constant 1 : i32
      %sub3A_40 = arith.subi %div3A, %sub3A : i32
      %select_n3A = arith.select %and3A, %sub3A_40, %div3A : i32
      %jit3A_41 = arith.constant 8 : i32
      %eq3A = arith.constant 0 : i32
      %eq3A_42 = arith.cmpi eq, %jit3A_41, %eq3A : i32
      %jit3A_43 = arith.constant 1 : i32
      %select_n3A_44 = arith.select %eq3A_42, %jit3A_43, %jit3A_41 : i32
      %rem3A_45 = arith.remsi %scan3A_23, %select_n3A_44 : i32
      %ne3A_46 = arith.constant 0 : i32
      %ne3A_47 = arith.cmpi ne, %rem3A_45, %ne3A_46 : i32
      %lt3A = arith.constant 0 : i32
      %lt3A_48 = arith.cmpi slt, %rem3A_45, %lt3A : i32
      %lt3A_49 = arith.constant 0 : i32
      %lt3A_50 = arith.cmpi slt, %select_n3A_44, %lt3A_49 : i32
      %ne3A_51 = arith.xori %lt3A_48, %lt3A_50 : i1
      %and3A_52 = arith.andi %ne3A_51, %ne3A_47 : i1
      %add3A_53 = arith.addi %rem3A_45, %select_n3A_44 : i32
      %select_n3A_54 = arith.select %and3A_52, %add3A_53, %rem3A_45 : i32
      %mul3A_55 = arith.constant 16 : i32
      %mul3A_56 = arith.muli %select_n3A_54, %mul3A_55 : i32
      %swap3A = arith.index_cast %select_n3A : i32 to index
      %swap3A_57 = arith.index_cast %mul3A_56 : i32 to index
      %swap3A_58 = tpu.vector_load %arg8[%swap3A, %swap3A_57] {strides = array<i32>} : memref<40x128xf32, #tpu.memory_space<vmem>>, vector<16xf32>,
      tpu.vector_store %arg8[%swap3A, %swap3A_57], %broadcast_in_dim3A_24 {strides = array<i32>} : memref<40x128xf32, #tpu.memory_space<vmem>>, vector<16xf32>,
    }
    %scan3A_5 = arith.constant 320 : i32
    %scan3A_6 = arith.constant 0 : i32
    %scan3A_7 = arith.constant 0 : i32
    %scan3A_8 = arith.constant 16 : i32
    %scan3A_9 = arith.addi %scan3A_7, %scan3A_8 : i32
    %scan3A_10 = arith.constant 1 : i32
    scf.for %scan3A_23 = %scan3A_7 to %scan3A_9 step %scan3A_10  : i32 {
      %mul3A_24 = arith.constant 640 : i32
      %mul3A_25 = arith.muli %arg1, %mul3A_24 : i32
      %mul3A_26 = arith.constant 40 : i32
      %mul3A_27 = arith.muli %scan3A_23, %mul3A_26 : i32
      %add3A_28 = arith.addi %mul3A_25, %mul3A_27 : i32
      "tpu.region"() ({
        %run_scoped3A = tpu.sem_alloc : memref<!tpu.dma_semaphore, #tpu.memory_space<semaphore_mem>>
        %dma_start3A = arith.constant 0 : i32
        %dma_start3A_29 = tpu.memref_slice %arg18[%add3A_28, %dma_start3A] : memref<10240x128xf32, #tpu.memory_space<vmem_shared>> -> memref<40x128xf32, #tpu.memory_space<vmem_shared>>
        %dma_start3A_30 = arith.constant 0 : i32
        %dma_start3A_31 = tpu.memref_slice %arg18[%add3A_28, %dma_start3A_30] : memref<10240x128xf32, #tpu.memory_space<vmem_shared>> -> memref<40x128xf32, #tpu.memory_space<vmem_shared>>
        tpu.enqueue_dma source(%arg8 : memref<40x128xf32, #tpu.memory_space<vmem>>) target(%dma_start3A_31 : memref<40x128xf32, #tpu.memory_space<vmem_shared>>) target_semaphore(%run_scoped3A : memref<!tpu.dma_semaphore, #tpu.memory_space<semaphore_mem>>)
        %dma_wait3A = arith.constant 0 : i32
        %dma_wait3A_32 = tpu.memref_slice %arg18[%add3A_28, %dma_wait3A] : memref<10240x128xf32, #tpu.memory_space<vmem_shared>> -> memref<40x128xf32, #tpu.memory_space<vmem_shared>>
        %dma_wait3A_33 = arith.constant 0 : i32
        %dma_wait3A_34 = tpu.memref_slice %arg18[%add3A_28, %dma_wait3A_33] : memref<10240x128xf32, #tpu.memory_space<vmem_shared>> -> memref<40x128xf32, #tpu.memory_space<vmem_shared>>
        tpu.wait_dma2 semaphore(%run_scoped3A : memref<!tpu.dma_semaphore, #tpu.memory_space<semaphore_mem>>) src(%arg8 : memref<40x128xf32, #tpu.memory_space<vmem>>) dst(%dma_wait3A_34 : memref<40x128xf32, #tpu.memory_space<vmem_shared>>)
        tpu.yield
      }) : () -> ()
    }
    %scan3A_11 = arith.constant 16 : i32
    %barrier3A = arith.constant 0 : index
    tpu.barrier barrier_id(%barrier3A)
    %scan3A_12 = arith.constant 0 : i32
    %scan3A_13 = arith.constant 0 : i32
    %scan3A_14 = arith.constant 5 : i32
    %scan3A_15 = arith.addi %scan3A_13, %scan3A_14 : i32
    %scan3A_16 = arith.constant 1 : i32
    scf.for %scan3A_23 = %scan3A_13 to %scan3A_15 step %scan3A_16  : i32 {
      "tpu.region"() ({
        %run_scoped3A = tpu.sem_alloc : memref<!tpu.dma_semaphore, #tpu.memory_space<semaphore_mem>>
        %dma_start3A_64 = arith.constant 0 : i32
        %dma_start3A_65 = arith.constant 0 : i32
        %dma_start3A_66 = tpu.memref_slice %arg3[%add3A, %scan3A_23, %dma_start3A_64, %dma_start3A_65] : memref<32x5x50x40xi32, #tpu.memory_space<hbm>> -> memref<1x1x50x40xi32, #tpu.memory_space<hbm>>
        %dma_start3A_67 = tpu.memref_squeeze %dma_start3A_66 : memref<1x1x50x40xi32, #tpu.memory_space<hbm>> -> memref<50x40xi32, #tpu.memory_space<hbm>>
        %dma_start3A_68 = arith.constant 0 : i32
        %dma_start3A_69 = arith.constant 0 : i32
        %dma_start3A_70 = tpu.memref_slice %arg3[%add3A, %scan3A_23, %dma_start3A_68, %dma_start3A_69] : memref<32x5x50x40xi32, #tpu.memory_space<hbm>> -> memref<1x1x50x40xi32, #tpu.memory_space<hbm>>
        %dma_start3A_71 = tpu.memref_squeeze %dma_start3A_70 : memref<1x1x50x40xi32, #tpu.memory_space<hbm>> -> memref<50x40xi32, #tpu.memory_space<hbm>>
        tpu.enqueue_dma source(%dma_start3A_71 : memref<50x40xi32, #tpu.memory_space<hbm>>) target(%arg6 : memref<50x40xi32, #tpu.memory_space<vmem>>) target_semaphore(%run_scoped3A : memref<!tpu.dma_semaphore, #tpu.memory_space<semaphore_mem>>)
        %dma_wait3A = arith.constant 0 : i32
        %dma_wait3A_72 = arith.constant 0 : i32
        %dma_wait3A_73 = tpu.memref_slice %arg3[%add3A, %scan3A_23, %dma_wait3A, %dma_wait3A_72] : memref<32x5x50x40xi32, #tpu.memory_space<hbm>> -> memref<1x1x50x40xi32, #tpu.memory_space<hbm>>
        %dma_wait3A_74 = tpu.memref_squeeze %dma_wait3A_73 : memref<1x1x50x40xi32, #tpu.memory_space<hbm>> -> memref<50x40xi32, #tpu.memory_space<hbm>>
        %dma_wait3A_75 = arith.constant 0 : i32
        %dma_wait3A_76 = arith.constant 0 : i32
        %dma_wait3A_77 = tpu.memref_slice %arg3[%add3A, %scan3A_23, %dma_wait3A_75, %dma_wait3A_76] : memref<32x5x50x40xi32, #tpu.memory_space<hbm>> -> memref<1x1x50x40xi32, #tpu.memory_space<hbm>>
        %dma_wait3A_78 = tpu.memref_squeeze %dma_wait3A_77 : memref<1x1x50x40xi32, #tpu.memory_space<hbm>> -> memref<50x40xi32, #tpu.memory_space<hbm>>
        tpu.wait_dma2 semaphore(%run_scoped3A : memref<!tpu.dma_semaphore, #tpu.memory_space<semaphore_mem>>) src(%dma_wait3A_78 : memref<50x40xi32, #tpu.memory_space<hbm>>) dst(%arg6 : memref<50x40xi32, #tpu.memory_space<vmem>>)
        tpu.yield
      }) : () -> ()
      "tpu.region"() ({
        %run_scoped3A = tpu.sem_alloc : memref<!tpu.dma_semaphore, #tpu.memory_space<semaphore_mem>>
        %dma_start3A_64 = arith.constant 0 : i32
        %dma_start3A_65 = arith.constant 0 : i32
        %dma_start3A_66 = tpu.memref_slice %arg4[%add3A, %scan3A_23, %dma_start3A_64, %dma_start3A_65] : memref<32x5x50x40xi32, #tpu.memory_space<hbm>> -> memref<1x1x50x40xi32, #tpu.memory_space<hbm>>
        %dma_start3A_67 = tpu.memref_squeeze %dma_start3A_66 : memref<1x1x50x40xi32, #tpu.memory_space<hbm>> -> memref<50x40xi32, #tpu.memory_space<hbm>>
        %dma_start3A_68 = arith.constant 0 : i32
        %dma_start3A_69 = arith.constant 0 : i32
        %dma_start3A_70 = tpu.memref_slice %arg4[%add3A, %scan3A_23, %dma_start3A_68, %dma_start3A_69] : memref<32x5x50x40xi32, #tpu.memory_space<hbm>> -> memref<1x1x50x40xi32, #tpu.memory_space<hbm>>
        %dma_start3A_71 = tpu.memref_squeeze %dma_start3A_70 : memref<1x1x50x40xi32, #tpu.memory_space<hbm>> -> memref<50x40xi32, #tpu.memory_space<hbm>>
        tpu.enqueue_dma source(%dma_start3A_71 : memref<50x40xi32, #tpu.memory_space<hbm>>) target(%arg7 : memref<50x40xi32, #tpu.memory_space<vmem>>) target_semaphore(%run_scoped3A : memref<!tpu.dma_semaphore, #tpu.memory_space<semaphore_mem>>)
        %dma_wait3A = arith.constant 0 : i32
        %dma_wait3A_72 = arith.constant 0 : i32
        %dma_wait3A_73 = tpu.memref_slice %arg4[%add3A, %scan3A_23, %dma_wait3A, %dma_wait3A_72] : memref<32x5x50x40xi32, #tpu.memory_space<hbm>> -> memref<1x1x50x40xi32, #tpu.memory_space<hbm>>
        %dma_wait3A_74 = tpu.memref_squeeze %dma_wait3A_73 : memref<1x1x50x40xi32, #tpu.memory_space<hbm>> -> memref<50x40xi32, #tpu.memory_space<hbm>>
        %dma_wait3A_75 = arith.constant 0 : i32
        %dma_wait3A_76 = arith.constant 0 : i32
        %dma_wait3A_77 = tpu.memref_slice %arg4[%add3A, %scan3A_23, %dma_wait3A_75, %dma_wait3A_76] : memref<32x5x50x40xi32, #tpu.memory_space<hbm>> -> memref<1x1x50x40xi32, #tpu.memory_space<hbm>>
        %dma_wait3A_78 = tpu.memref_squeeze %dma_wait3A_77 : memref<1x1x50x40xi32, #tpu.memory_space<hbm>> -> memref<50x40xi32, #tpu.memory_space<hbm>>
        tpu.wait_dma2 semaphore(%run_scoped3A : memref<!tpu.dma_semaphore, #tpu.memory_space<semaphore_mem>>) src(%dma_wait3A_78 : memref<50x40xi32, #tpu.memory_space<hbm>>) dst(%arg7 : memref<50x40xi32, #tpu.memory_space<vmem>>)
        tpu.yield
      }) : () -> ()
      %dma_start3A = arith.constant 0 : i32
      %dma_start3A_24 = arith.constant 0 : i32
      %dma_start3A_25 = tpu.memref_slice %arg6[%dma_start3A, %dma_start3A_24] : memref<50x40xi32, #tpu.memory_space<vmem>> -> memref<1x40xi32, #tpu.memory_space<vmem>>
      %dma_start3A_26 = tpu.memref_squeeze %dma_start3A_25 : memref<1x40xi32, #tpu.memory_space<vmem>> -> memref<40xi32, #tpu.memory_space<vmem>>
      %dma_start3A_27 = arith.constant 0 : i32
      %dma_start3A_28 = arith.constant 0 : i32
      %dma_start3A_29 = tpu.memref_slice %arg2[%dma_start3A_27, %dma_start3A_28] : memref<10000x128xf32, #tpu.memory_space<hbm>> -> memref<10000x128xf32, #tpu.memory_space<hbm>>
      tpu.enqueue_indirect_dma source(%dma_start3A_29 : memref<10000x128xf32, #tpu.memory_space<hbm>>) target(%arg8 : memref<40x128xf32, #tpu.memory_space<vmem>>) offsets(%dma_start3A_26 : memref<40xi32, #tpu.memory_space<vmem>>) semaphore(%arg13 : memref<!tpu.dma_semaphore, #tpu.memory_space<semaphore_mem>>)
      %dma_start3A_30 = arith.constant 1 : i32
      %dma_start3A_31 = arith.constant 0 : i32
      %dma_start3A_32 = tpu.memref_slice %arg6[%dma_start3A_30, %dma_start3A_31] : memref<50x40xi32, #tpu.memory_space<vmem>> -> memref<1x40xi32, #tpu.memory_space<vmem>>
      %dma_start3A_33 = tpu.memref_squeeze %dma_start3A_32 : memref<1x40xi32, #tpu.memory_space<vmem>> -> memref<40xi32, #tpu.memory_space<vmem>>
      %dma_start3A_34 = arith.constant 0 : i32
      %dma_start3A_35 = arith.constant 0 : i32
      %dma_start3A_36 = tpu.memref_slice %arg2[%dma_start3A_34, %dma_start3A_35] : memref<10000x128xf32, #tpu.memory_space<hbm>> -> memref<10000x128xf32, #tpu.memory_space<hbm>>
      tpu.enqueue_indirect_dma source(%dma_start3A_36 : memref<10000x128xf32, #tpu.memory_space<hbm>>) target(%arg9 : memref<40x128xf32, #tpu.memory_space<vmem>>) offsets(%dma_start3A_33 : memref<40xi32, #tpu.memory_space<vmem>>) semaphore(%arg14 : memref<!tpu.dma_semaphore, #tpu.memory_space<semaphore_mem>>)
      %dma_start3A_37 = arith.constant 2 : i32
      %dma_start3A_38 = arith.constant 0 : i32
      %dma_start3A_39 = tpu.memref_slice %arg6[%dma_start3A_37, %dma_start3A_38] : memref<50x40xi32, #tpu.memory_space<vmem>> -> memref<1x40xi32, #tpu.memory_space<vmem>>
      %dma_start3A_40 = tpu.memref_squeeze %dma_start3A_39 : memref<1x40xi32, #tpu.memory_space<vmem>> -> memref<40xi32, #tpu.memory_space<vmem>>
      %dma_start3A_41 = arith.constant 0 : i32
      %dma_start3A_42 = arith.constant 0 : i32
      %dma_start3A_43 = tpu.memref_slice %arg2[%dma_start3A_41, %dma_start3A_42] : memref<10000x128xf32, #tpu.memory_space<hbm>> -> memref<10000x128xf32, #tpu.memory_space<hbm>>
      tpu.enqueue_indirect_dma source(%dma_start3A_43 : memref<10000x128xf32, #tpu.memory_space<hbm>>) target(%arg10 : memref<40x128xf32, #tpu.memory_space<vmem>>) offsets(%dma_start3A_40 : memref<40xi32, #tpu.memory_space<vmem>>) semaphore(%arg15 : memref<!tpu.dma_semaphore, #tpu.memory_space<semaphore_mem>>)
      %dma_start3A_44 = arith.constant 3 : i32
      %dma_start3A_45 = arith.constant 0 : i32
      %dma_start3A_46 = tpu.memref_slice %arg6[%dma_start3A_44, %dma_start3A_45] : memref<50x40xi32, #tpu.memory_space<vmem>> -> memref<1x40xi32, #tpu.memory_space<vmem>>
      %dma_start3A_47 = tpu.memref_squeeze %dma_start3A_46 : memref<1x40xi32, #tpu.memory_space<vmem>> -> memref<40xi32, #tpu.memory_space<vmem>>
      %dma_start3A_48 = arith.constant 0 : i32
      %dma_start3A_49 = arith.constant 0 : i32
      %dma_start3A_50 = tpu.memref_slice %arg2[%dma_start3A_48, %dma_start3A_49] : memref<10000x128xf32, #tpu.memory_space<hbm>> -> memref<10000x128xf32, #tpu.memory_space<hbm>>
      tpu.enqueue_indirect_dma source(%dma_start3A_50 : memref<10000x128xf32, #tpu.memory_space<hbm>>) target(%arg11 : memref<40x128xf32, #tpu.memory_space<vmem>>) offsets(%dma_start3A_47 : memref<40xi32, #tpu.memory_space<vmem>>) semaphore(%arg16 : memref<!tpu.dma_semaphore, #tpu.memory_space<semaphore_mem>>)
      %dma_start3A_51 = arith.constant 4 : i32
      %dma_start3A_52 = arith.constant 0 : i32
      %dma_start3A_53 = tpu.memref_slice %arg6[%dma_start3A_51, %dma_start3A_52] : memref<50x40xi32, #tpu.memory_space<vmem>> -> memref<1x40xi32, #tpu.memory_space<vmem>>
      %dma_start3A_54 = tpu.memref_squeeze %dma_start3A_53 : memref<1x40xi32, #tpu.memory_space<vmem>> -> memref<40xi32, #tpu.memory_space<vmem>>
      %dma_start3A_55 = arith.constant 0 : i32
      %dma_start3A_56 = arith.constant 0 : i32
      %dma_start3A_57 = tpu.memref_slice %arg2[%dma_start3A_55, %dma_start3A_56] : memref<10000x128xf32, #tpu.memory_space<hbm>> -> memref<10000x128xf32, #tpu.memory_space<hbm>>
      tpu.enqueue_indirect_dma source(%dma_start3A_57 : memref<10000x128xf32, #tpu.memory_space<hbm>>) target(%arg12 : memref<40x128xf32, #tpu.memory_space<vmem>>) offsets(%dma_start3A_54 : memref<40xi32, #tpu.memory_space<vmem>>) semaphore(%arg17 : memref<!tpu.dma_semaphore, #tpu.memory_space<semaphore_mem>>)
      %scan3A_58 = arith.constant 0 : i32
      %scan3A_59 = arith.constant 0 : i32
      %scan3A_60 = arith.constant 10 : i32
      %scan3A_61 = arith.addi %scan3A_59, %scan3A_60 : i32
      %scan3A_62 = arith.constant 1 : i32
      scf.for %scan3A_64 = %scan3A_59 to %scan3A_61 step %scan3A_62  : i32 {
        %mul3A_65 = arith.constant 5 : i32
        %mul3A_66 = arith.muli %scan3A_64, %mul3A_65 : i32
        %add3A_67 = arith.constant 0 : i32
        %add3A_68 = arith.addi %mul3A_66, %add3A_67 : i32
        %dma_wait3A = arith.constant 0 : i32
        %dma_wait3A_69 = tpu.memref_slice %arg6[%add3A_68, %dma_wait3A] : memref<50x40xi32, #tpu.memory_space<vmem>> -> memref<1x40xi32, #tpu.memory_space<vmem>>
        %dma_wait3A_70 = tpu.memref_squeeze %dma_wait3A_69 : memref<1x40xi32, #tpu.memory_space<vmem>> -> memref<40xi32, #tpu.memory_space<vmem>>
        %dma_wait3A_71 = arith.constant 0 : i32
        %dma_wait3A_72 = arith.constant 0 : i32
        %dma_wait3A_73 = tpu.memref_slice %arg2[%dma_wait3A_71, %dma_wait3A_72] : memref<10000x128xf32, #tpu.memory_space<hbm>> -> memref<10000x128xf32, #tpu.memory_space<hbm>>
        tpu.wait_indirect_dma semaphore(%arg13 : memref<!tpu.dma_semaphore, #tpu.memory_space<semaphore_mem>>) src(%dma_wait3A_73 : memref<10000x128xf32, #tpu.memory_space<hbm>>) dst(%arg8 : memref<40x128xf32, #tpu.memory_space<vmem>>)
        %add3A_74 = arith.constant 0 : i32
        %add3A_75 = arith.addi %mul3A_66, %add3A_74 : i32
        "tpu.region"() ({
          %run_scoped3A = tpu.sem_alloc : memref<!tpu.dma_semaphore, #tpu.memory_space<semaphore_mem>>
          %dma_start3A_138 = arith.constant 0 : i32
          %dma_start3A_139 = tpu.memref_slice %arg7[%add3A_75, %dma_start3A_138] : memref<50x40xi32, #tpu.memory_space<vmem>> -> memref<1x40xi32, #tpu.memory_space<vmem>>
          %dma_start3A_140 = tpu.memref_squeeze %dma_start3A_139 : memref<1x40xi32, #tpu.memory_space<vmem>> -> memref<40xi32, #tpu.memory_space<vmem>>
          %dma_start3A_141 = arith.constant 0 : i32
          %dma_start3A_142 = arith.constant 0 : i32
          %dma_start3A_143 = tpu.memref_slice %arg18[%dma_start3A_141, %dma_start3A_142] : memref<10240x128xf32, #tpu.memory_space<vmem_shared>> -> memref<10240x128xf32, #tpu.memory_space<vmem_shared>>
          tpu.enqueue_indirect_dma source(%arg8 : memref<40x128xf32, #tpu.memory_space<vmem>>) target(%dma_start3A_143 : memref<10240x128xf32, #tpu.memory_space<vmem_shared>>) offsets(%dma_start3A_140 : memref<40xi32, #tpu.memory_space<vmem>>) semaphore(%run_scoped3A : memref<!tpu.dma_semaphore, #tpu.memory_space<semaphore_mem>>) {add = true}
          %dma_wait3A_144 = arith.constant 0 : i32
          %dma_wait3A_145 = tpu.memref_slice %arg7[%add3A_75, %dma_wait3A_144] : memref<50x40xi32, #tpu.memory_space<vmem>> -> memref<1x40xi32, #tpu.memory_space<vmem>>
          %dma_wait3A_146 = tpu.memref_squeeze %dma_wait3A_145 : memref<1x40xi32, #tpu.memory_space<vmem>> -> memref<40xi32, #tpu.memory_space<vmem>>
          %dma_wait3A_147 = arith.constant 0 : i32
          %dma_wait3A_148 = arith.constant 0 : i32
          %dma_wait3A_149 = tpu.memref_slice %arg18[%dma_wait3A_147, %dma_wait3A_148] : memref<10240x128xf32, #tpu.memory_space<vmem_shared>> -> memref<10240x128xf32, #tpu.memory_space<vmem_shared>>
          tpu.wait_indirect_dma semaphore(%run_scoped3A : memref<!tpu.dma_semaphore, #tpu.memory_space<semaphore_mem>>) src(%arg8 : memref<40x128xf32, #tpu.memory_space<vmem>>) dst(%dma_wait3A_149 : memref<10240x128xf32, #tpu.memory_space<vmem_shared>>)
          tpu.yield
        }) : () -> ()
        %lt3A = arith.constant 9 : i32
        %lt3A_76 = arith.cmpi slt, %scan3A_64, %lt3A : i32
        %convert_element_type3A = arith.extui %lt3A_76 : i1 to i32
        %cond3A = arith.constant 0 : i32
        %cond3A_77 = arith.cmpi ne, %convert_element_type3A, %cond3A : i32
        scf.if %cond3A_77 {
          %add3A_138 = arith.constant 0 : i32
          %add3A_139 = arith.addi %mul3A_66, %add3A_138 : i32
          %add3A_140 = arith.constant 5 : i32
          %add3A_141 = arith.addi %add3A_139, %add3A_140 : i32
          %dma_start3A_142 = arith.constant 0 : i32
          %dma_start3A_143 = tpu.memref_slice %arg6[%add3A_141, %dma_start3A_142] : memref<50x40xi32, #tpu.memory_space<vmem>> -> memref<1x40xi32, #tpu.memory_space<vmem>>
          %dma_start3A_144 = tpu.memref_squeeze %dma_start3A_143 : memref<1x40xi32, #tpu.memory_space<vmem>> -> memref<40xi32, #tpu.memory_space<vmem>>
          %dma_start3A_145 = arith.constant 0 : i32
          %dma_start3A_146 = arith.constant 0 : i32
          %dma_start3A_147 = tpu.memref_slice %arg2[%dma_start3A_145, %dma_start3A_146] : memref<10000x128xf32, #tpu.memory_space<hbm>> -> memref<10000x128xf32, #tpu.memory_space<hbm>>
          tpu.enqueue_indirect_dma source(%dma_start3A_147 : memref<10000x128xf32, #tpu.memory_space<hbm>>) target(%arg8 : memref<40x128xf32, #tpu.memory_space<vmem>>) offsets(%dma_start3A_144 : memref<40xi32, #tpu.memory_space<vmem>>) semaphore(%arg13 : memref<!tpu.dma_semaphore, #tpu.memory_space<semaphore_mem>>)
        } else {
        }
        %add3A_78 = arith.constant 1 : i32
        %add3A_79 = arith.addi %mul3A_66, %add3A_78 : i32
        %dma_wait3A_80 = arith.constant 0 : i32
        %dma_wait3A_81 = tpu.memref_slice %arg6[%add3A_79, %dma_wait3A_80] : memref<50x40xi32, #tpu.memory_space<vmem>> -> memref<1x40xi32, #tpu.memory_space<vmem>>
        %dma_wait3A_82 = tpu.memref_squeeze %dma_wait3A_81 : memref<1x40xi32, #tpu.memory_space<vmem>> -> memref<40xi32, #tpu.memory_space<vmem>>
        %dma_wait3A_83 = arith.constant 0 : i32
        %dma_wait3A_84 = arith.constant 0 : i32
        %dma_wait3A_85 = tpu.memref_slice %arg2[%dma_wait3A_83, %dma_wait3A_84] : memref<10000x128xf32, #tpu.memory_space<hbm>> -> memref<10000x128xf32, #tpu.memory_space<hbm>>
        tpu.wait_indirect_dma semaphore(%arg14 : memref<!tpu.dma_semaphore, #tpu.memory_space<semaphore_mem>>) src(%dma_wait3A_85 : memref<10000x128xf32, #tpu.memory_space<hbm>>) dst(%arg9 : memref<40x128xf32, #tpu.memory_space<vmem>>)
        %add3A_86 = arith.constant 1 : i32
        %add3A_87 = arith.addi %mul3A_66, %add3A_86 : i32
        "tpu.region"() ({
          %run_scoped3A = tpu.sem_alloc : memref<!tpu.dma_semaphore, #tpu.memory_space<semaphore_mem>>
          %dma_start3A_138 = arith.constant 0 : i32
          %dma_start3A_139 = tpu.memref_slice %arg7[%add3A_87, %dma_start3A_138] : memref<50x40xi32, #tpu.memory_space<vmem>> -> memref<1x40xi32, #tpu.memory_space<vmem>>
          %dma_start3A_140 = tpu.memref_squeeze %dma_start3A_139 : memref<1x40xi32, #tpu.memory_space<vmem>> -> memref<40xi32, #tpu.memory_space<vmem>>
          %dma_start3A_141 = arith.constant 0 : i32
          %dma_start3A_142 = arith.constant 0 : i32
          %dma_start3A_143 = tpu.memref_slice %arg18[%dma_start3A_141, %dma_start3A_142] : memref<10240x128xf32, #tpu.memory_space<vmem_shared>> -> memref<10240x128xf32, #tpu.memory_space<vmem_shared>>
          tpu.enqueue_indirect_dma source(%arg9 : memref<40x128xf32, #tpu.memory_space<vmem>>) target(%dma_start3A_143 : memref<10240x128xf32, #tpu.memory_space<vmem_shared>>) offsets(%dma_start3A_140 : memref<40xi32, #tpu.memory_space<vmem>>) semaphore(%run_scoped3A : memref<!tpu.dma_semaphore, #tpu.memory_space<semaphore_mem>>) {add = true}
          %dma_wait3A_144 = arith.constant 0 : i32
          %dma_wait3A_145 = tpu.memref_slice %arg7[%add3A_87, %dma_wait3A_144] : memref<50x40xi32, #tpu.memory_space<vmem>> -> memref<1x40xi32, #tpu.memory_space<vmem>>
          %dma_wait3A_146 = tpu.memref_squeeze %dma_wait3A_145 : memref<1x40xi32, #tpu.memory_space<vmem>> -> memref<40xi32, #tpu.memory_space<vmem>>
          %dma_wait3A_147 = arith.constant 0 : i32
          %dma_wait3A_148 = arith.constant 0 : i32
          %dma_wait3A_149 = tpu.memref_slice %arg18[%dma_wait3A_147, %dma_wait3A_148] : memref<10240x128xf32, #tpu.memory_space<vmem_shared>> -> memref<10240x128xf32, #tpu.memory_space<vmem_shared>>
          tpu.wait_indirect_dma semaphore(%run_scoped3A : memref<!tpu.dma_semaphore, #tpu.memory_space<semaphore_mem>>) src(%arg9 : memref<40x128xf32, #tpu.memory_space<vmem>>) dst(%dma_wait3A_149 : memref<10240x128xf32, #tpu.memory_space<vmem_shared>>)
          tpu.yield
        }) : () -> ()
        %lt3A_88 = arith.constant 9 : i32
        %lt3A_89 = arith.cmpi slt, %scan3A_64, %lt3A_88 : i32
        %convert_element_type3A_90 = arith.extui %lt3A_89 : i1 to i32
        %cond3A_91 = arith.constant 0 : i32
        %cond3A_92 = arith.cmpi ne, %convert_element_type3A_90, %cond3A_91 : i32
        scf.if %cond3A_92 {
          %add3A_138 = arith.constant 1 : i32
          %add3A_139 = arith.addi %mul3A_66, %add3A_138 : i32
          %add3A_140 = arith.constant 5 : i32
          %add3A_141 = arith.addi %add3A_139, %add3A_140 : i32
          %dma_start3A_142 = arith.constant 0 : i32
          %dma_start3A_143 = tpu.memref_slice %arg6[%add3A_141, %dma_start3A_142] : memref<50x40xi32, #tpu.memory_space<vmem>> -> memref<1x40xi32, #tpu.memory_space<vmem>>
          %dma_start3A_144 = tpu.memref_squeeze %dma_start3A_143 : memref<1x40xi32, #tpu.memory_space<vmem>> -> memref<40xi32, #tpu.memory_space<vmem>>
          %dma_start3A_145 = arith.constant 0 : i32
          %dma_start3A_146 = arith.constant 0 : i32
          %dma_start3A_147 = tpu.memref_slice %arg2[%dma_start3A_145, %dma_start3A_146] : memref<10000x128xf32, #tpu.memory_space<hbm>> -> memref<10000x128xf32, #tpu.memory_space<hbm>>
          tpu.enqueue_indirect_dma source(%dma_start3A_147 : memref<10000x128xf32, #tpu.memory_space<hbm>>) target(%arg9 : memref<40x128xf32, #tpu.memory_space<vmem>>) offsets(%dma_start3A_144 : memref<40xi32, #tpu.memory_space<vmem>>) semaphore(%arg14 : memref<!tpu.dma_semaphore, #tpu.memory_space<semaphore_mem>>)
        } else {
        }
        %add3A_93 = arith.constant 2 : i32
        %add3A_94 = arith.addi %mul3A_66, %add3A_93 : i32
        %dma_wait3A_95 = arith.constant 0 : i32
        %dma_wait3A_96 = tpu.memref_slice %arg6[%add3A_94, %dma_wait3A_95] : memref<50x40xi32, #tpu.memory_space<vmem>> -> memref<1x40xi32, #tpu.memory_space<vmem>>
        %dma_wait3A_97 = tpu.memref_squeeze %dma_wait3A_96 : memref<1x40xi32, #tpu.memory_space<vmem>> -> memref<40xi32, #tpu.memory_space<vmem>>
        %dma_wait3A_98 = arith.constant 0 : i32
        %dma_wait3A_99 = arith.constant 0 : i32
        %dma_wait3A_100 = tpu.memref_slice %arg2[%dma_wait3A_98, %dma_wait3A_99] : memref<10000x128xf32, #tpu.memory_space<hbm>> -> memref<10000x128xf32, #tpu.memory_space<hbm>>
        tpu.wait_indirect_dma semaphore(%arg15 : memref<!tpu.dma_semaphore, #tpu.memory_space<semaphore_mem>>) src(%dma_wait3A_100 : memref<10000x128xf32, #tpu.memory_space<hbm>>) dst(%arg10 : memref<40x128xf32, #tpu.memory_space<vmem>>)
        %add3A_101 = arith.constant 2 : i32
        %add3A_102 = arith.addi %mul3A_66, %add3A_101 : i32
        "tpu.region"() ({
          %run_scoped3A = tpu.sem_alloc : memref<!tpu.dma_semaphore, #tpu.memory_space<semaphore_mem>>
          %dma_start3A_138 = arith.constant 0 : i32
          %dma_start3A_139 = tpu.memref_slice %arg7[%add3A_102, %dma_start3A_138] : memref<50x40xi32, #tpu.memory_space<vmem>> -> memref<1x40xi32, #tpu.memory_space<vmem>>
          %dma_start3A_140 = tpu.memref_squeeze %dma_start3A_139 : memref<1x40xi32, #tpu.memory_space<vmem>> -> memref<40xi32, #tpu.memory_space<vmem>>
          %dma_start3A_141 = arith.constant 0 : i32
          %dma_start3A_142 = arith.constant 0 : i32
          %dma_start3A_143 = tpu.memref_slice %arg18[%dma_start3A_141, %dma_start3A_142] : memref<10240x128xf32, #tpu.memory_space<vmem_shared>> -> memref<10240x128xf32, #tpu.memory_space<vmem_shared>>
          tpu.enqueue_indirect_dma source(%arg10 : memref<40x128xf32, #tpu.memory_space<vmem>>) target(%dma_start3A_143 : memref<10240x128xf32, #tpu.memory_space<vmem_shared>>) offsets(%dma_start3A_140 : memref<40xi32, #tpu.memory_space<vmem>>) semaphore(%run_scoped3A : memref<!tpu.dma_semaphore, #tpu.memory_space<semaphore_mem>>) {add = true}
          %dma_wait3A_144 = arith.constant 0 : i32
          %dma_wait3A_145 = tpu.memref_slice %arg7[%add3A_102, %dma_wait3A_144] : memref<50x40xi32, #tpu.memory_space<vmem>> -> memref<1x40xi32, #tpu.memory_space<vmem>>
          %dma_wait3A_146 = tpu.memref_squeeze %dma_wait3A_145 : memref<1x40xi32, #tpu.memory_space<vmem>> -> memref<40xi32, #tpu.memory_space<vmem>>
          %dma_wait3A_147 = arith.constant 0 : i32
          %dma_wait3A_148 = arith.constant 0 : i32
          %dma_wait3A_149 = tpu.memref_slice %arg18[%dma_wait3A_147, %dma_wait3A_148] : memref<10240x128xf32, #tpu.memory_space<vmem_shared>> -> memref<10240x128xf32, #tpu.memory_space<vmem_shared>>
          tpu.wait_indirect_dma semaphore(%run_scoped3A : memref<!tpu.dma_semaphore, #tpu.memory_space<semaphore_mem>>) src(%arg10 : memref<40x128xf32, #tpu.memory_space<vmem>>) dst(%dma_wait3A_149 : memref<10240x128xf32, #tpu.memory_space<vmem_shared>>)
          tpu.yield
        }) : () -> ()
        %lt3A_103 = arith.constant 9 : i32
        %lt3A_104 = arith.cmpi slt, %scan3A_64, %lt3A_103 : i32
        %convert_element_type3A_105 = arith.extui %lt3A_104 : i1 to i32
        %cond3A_106 = arith.constant 0 : i32
        %cond3A_107 = arith.cmpi ne, %convert_element_type3A_105, %cond3A_106 : i32
        scf.if %cond3A_107 {
          %add3A_138 = arith.constant 2 : i32
          %add3A_139 = arith.addi %mul3A_66, %add3A_138 : i32
          %add3A_140 = arith.constant 5 : i32
          %add3A_141 = arith.addi %add3A_139, %add3A_140 : i32
          %dma_start3A_142 = arith.constant 0 : i32
          %dma_start3A_143 = tpu.memref_slice %arg6[%add3A_141, %dma_start3A_142] : memref<50x40xi32, #tpu.memory_space<vmem>> -> memref<1x40xi32, #tpu.memory_space<vmem>>
          %dma_start3A_144 = tpu.memref_squeeze %dma_start3A_143 : memref<1x40xi32, #tpu.memory_space<vmem>> -> memref<40xi32, #tpu.memory_space<vmem>>
          %dma_start3A_145 = arith.constant 0 : i32
          %dma_start3A_146 = arith.constant 0 : i32
          %dma_start3A_147 = tpu.memref_slice %arg2[%dma_start3A_145, %dma_start3A_146] : memref<10000x128xf32, #tpu.memory_space<hbm>> -> memref<10000x128xf32, #tpu.memory_space<hbm>>
          tpu.enqueue_indirect_dma source(%dma_start3A_147 : memref<10000x128xf32, #tpu.memory_space<hbm>>) target(%arg10 : memref<40x128xf32, #tpu.memory_space<vmem>>) offsets(%dma_start3A_144 : memref<40xi32, #tpu.memory_space<vmem>>) semaphore(%arg15 : memref<!tpu.dma_semaphore, #tpu.memory_space<semaphore_mem>>)
        } else {
        }
        %add3A_108 = arith.constant 3 : i32
        %add3A_109 = arith.addi %mul3A_66, %add3A_108 : i32
        %dma_wait3A_110 = arith.constant 0 : i32
        %dma_wait3A_111 = tpu.memref_slice %arg6[%add3A_109, %dma_wait3A_110] : memref<50x40xi32, #tpu.memory_space<vmem>> -> memref<1x40xi32, #tpu.memory_space<vmem>>
        %dma_wait3A_112 = tpu.memref_squeeze %dma_wait3A_111 : memref<1x40xi32, #tpu.memory_space<vmem>> -> memref<40xi32, #tpu.memory_space<vmem>>
        %dma_wait3A_113 = arith.constant 0 : i32
        %dma_wait3A_114 = arith.constant 0 : i32
        %dma_wait3A_115 = tpu.memref_slice %arg2[%dma_wait3A_113, %dma_wait3A_114] : memref<10000x128xf32, #tpu.memory_space<hbm>> -> memref<10000x128xf32, #tpu.memory_space<hbm>>
        tpu.wait_indirect_dma semaphore(%arg16 : memref<!tpu.dma_semaphore, #tpu.memory_space<semaphore_mem>>) src(%dma_wait3A_115 : memref<10000x128xf32, #tpu.memory_space<hbm>>) dst(%arg11 : memref<40x128xf32, #tpu.memory_space<vmem>>)
        %add3A_116 = arith.constant 3 : i32
        %add3A_117 = arith.addi %mul3A_66, %add3A_116 : i32
        "tpu.region"() ({
          %run_scoped3A = tpu.sem_alloc : memref<!tpu.dma_semaphore, #tpu.memory_space<semaphore_mem>>
          %dma_start3A_138 = arith.constant 0 : i32
          %dma_start3A_139 = tpu.memref_slice %arg7[%add3A_117, %dma_start3A_138] : memref<50x40xi32, #tpu.memory_space<vmem>> -> memref<1x40xi32, #tpu.memory_space<vmem>>
          %dma_start3A_140 = tpu.memref_squeeze %dma_start3A_139 : memref<1x40xi32, #tpu.memory_space<vmem>> -> memref<40xi32, #tpu.memory_space<vmem>>
          %dma_start3A_141 = arith.constant 0 : i32
          %dma_start3A_142 = arith.constant 0 : i32
          %dma_start3A_143 = tpu.memref_slice %arg18[%dma_start3A_141, %dma_start3A_142] : memref<10240x128xf32, #tpu.memory_space<vmem_shared>> -> memref<10240x128xf32, #tpu.memory_space<vmem_shared>>
          tpu.enqueue_indirect_dma source(%arg11 : memref<40x128xf32, #tpu.memory_space<vmem>>) target(%dma_start3A_143 : memref<10240x128xf32, #tpu.memory_space<vmem_shared>>) offsets(%dma_start3A_140 : memref<40xi32, #tpu.memory_space<vmem>>) semaphore(%run_scoped3A : memref<!tpu.dma_semaphore, #tpu.memory_space<semaphore_mem>>) {add = true}
          %dma_wait3A_144 = arith.constant 0 : i32
          %dma_wait3A_145 = tpu.memref_slice %arg7[%add3A_117, %dma_wait3A_144] : memref<50x40xi32, #tpu.memory_space<vmem>> -> memref<1x40xi32, #tpu.memory_space<vmem>>
          %dma_wait3A_146 = tpu.memref_squeeze %dma_wait3A_145 : memref<1x40xi32, #tpu.memory_space<vmem>> -> memref<40xi32, #tpu.memory_space<vmem>>
          %dma_wait3A_147 = arith.constant 0 : i32
          %dma_wait3A_148 = arith.constant 0 : i32
          %dma_wait3A_149 = tpu.memref_slice %arg18[%dma_wait3A_147, %dma_wait3A_148] : memref<10240x128xf32, #tpu.memory_space<vmem_shared>> -> memref<10240x128xf32, #tpu.memory_space<vmem_shared>>
          tpu.wait_indirect_dma semaphore(%run_scoped3A : memref<!tpu.dma_semaphore, #tpu.memory_space<semaphore_mem>>) src(%arg11 : memref<40x128xf32, #tpu.memory_space<vmem>>) dst(%dma_wait3A_149 : memref<10240x128xf32, #tpu.memory_space<vmem_shared>>)
          tpu.yield
        }) : () -> ()
        %lt3A_118 = arith.constant 9 : i32
        %lt3A_119 = arith.cmpi slt, %scan3A_64, %lt3A_118 : i32
        %convert_element_type3A_120 = arith.extui %lt3A_119 : i1 to i32
        %cond3A_121 = arith.constant 0 : i32
        %cond3A_122 = arith.cmpi ne, %convert_element_type3A_120, %cond3A_121 : i32
        scf.if %cond3A_122 {
          %add3A_138 = arith.constant 3 : i32
          %add3A_139 = arith.addi %mul3A_66, %add3A_138 : i32
          %add3A_140 = arith.constant 5 : i32
          %add3A_141 = arith.addi %add3A_139, %add3A_140 : i32
          %dma_start3A_142 = arith.constant 0 : i32
          %dma_start3A_143 = tpu.memref_slice %arg6[%add3A_141, %dma_start3A_142] : memref<50x40xi32, #tpu.memory_space<vmem>> -> memref<1x40xi32, #tpu.memory_space<vmem>>
          %dma_start3A_144 = tpu.memref_squeeze %dma_start3A_143 : memref<1x40xi32, #tpu.memory_space<vmem>> -> memref<40xi32, #tpu.memory_space<vmem>>
          %dma_start3A_145 = arith.constant 0 : i32
          %dma_start3A_146 = arith.constant 0 : i32
          %dma_start3A_147 = tpu.memref_slice %arg2[%dma_start3A_145, %dma_start3A_146] : memref<10000x128xf32, #tpu.memory_space<hbm>> -> memref<10000x128xf32, #tpu.memory_space<hbm>>
          tpu.enqueue_indirect_dma source(%dma_start3A_147 : memref<10000x128xf32, #tpu.memory_space<hbm>>) target(%arg11 : memref<40x128xf32, #tpu.memory_space<vmem>>) offsets(%dma_start3A_144 : memref<40xi32, #tpu.memory_space<vmem>>) semaphore(%arg16 : memref<!tpu.dma_semaphore, #tpu.memory_space<semaphore_mem>>)
        } else {
        }
        %add3A_123 = arith.constant 4 : i32
        %add3A_124 = arith.addi %mul3A_66, %add3A_123 : i32
        %dma_wait3A_125 = arith.constant 0 : i32
        %dma_wait3A_126 = tpu.memref_slice %arg6[%add3A_124, %dma_wait3A_125] : memref<50x40xi32, #tpu.memory_space<vmem>> -> memref<1x40xi32, #tpu.memory_space<vmem>>
        %dma_wait3A_127 = tpu.memref_squeeze %dma_wait3A_126 : memref<1x40xi32, #tpu.memory_space<vmem>> -> memref<40xi32, #tpu.memory_space<vmem>>
        %dma_wait3A_128 = arith.constant 0 : i32
        %dma_wait3A_129 = arith.constant 0 : i32
        %dma_wait3A_130 = tpu.memref_slice %arg2[%dma_wait3A_128, %dma_wait3A_129] : memref<10000x128xf32, #tpu.memory_space<hbm>> -> memref<10000x128xf32, #tpu.memory_space<hbm>>
        tpu.wait_indirect_dma semaphore(%arg17 : memref<!tpu.dma_semaphore, #tpu.memory_space<semaphore_mem>>) src(%dma_wait3A_130 : memref<10000x128xf32, #tpu.memory_space<hbm>>) dst(%arg12 : memref<40x128xf32, #tpu.memory_space<vmem>>)
        %add3A_131 = arith.constant 4 : i32
        %add3A_132 = arith.addi %mul3A_66, %add3A_131 : i32
        "tpu.region"() ({
          %run_scoped3A = tpu.sem_alloc : memref<!tpu.dma_semaphore, #tpu.memory_space<semaphore_mem>>
          %dma_start3A_138 = arith.constant 0 : i32
          %dma_start3A_139 = tpu.memref_slice %arg7[%add3A_132, %dma_start3A_138] : memref<50x40xi32, #tpu.memory_space<vmem>> -> memref<1x40xi32, #tpu.memory_space<vmem>>
          %dma_start3A_140 = tpu.memref_squeeze %dma_start3A_139 : memref<1x40xi32, #tpu.memory_space<vmem>> -> memref<40xi32, #tpu.memory_space<vmem>>
          %dma_start3A_141 = arith.constant 0 : i32
          %dma_start3A_142 = arith.constant 0 : i32
          %dma_start3A_143 = tpu.memref_slice %arg18[%dma_start3A_141, %dma_start3A_142] : memref<10240x128xf32, #tpu.memory_space<vmem_shared>> -> memref<10240x128xf32, #tpu.memory_space<vmem_shared>>
          tpu.enqueue_indirect_dma source(%arg12 : memref<40x128xf32, #tpu.memory_space<vmem>>) target(%dma_start3A_143 : memref<10240x128xf32, #tpu.memory_space<vmem_shared>>) offsets(%dma_start3A_140 : memref<40xi32, #tpu.memory_space<vmem>>) semaphore(%run_scoped3A : memref<!tpu.dma_semaphore, #tpu.memory_space<semaphore_mem>>) {add = true}
          %dma_wait3A_144 = arith.constant 0 : i32
          %dma_wait3A_145 = tpu.memref_slice %arg7[%add3A_132, %dma_wait3A_144] : memref<50x40xi32, #tpu.memory_space<vmem>> -> memref<1x40xi32, #tpu.memory_space<vmem>>
          %dma_wait3A_146 = tpu.memref_squeeze %dma_wait3A_145 : memref<1x40xi32, #tpu.memory_space<vmem>> -> memref<40xi32, #tpu.memory_space<vmem>>
          %dma_wait3A_147 = arith.constant 0 : i32
          %dma_wait3A_148 = arith.constant 0 : i32
          %dma_wait3A_149 = tpu.memref_slice %arg18[%dma_wait3A_147, %dma_wait3A_148] : memref<10240x128xf32, #tpu.memory_space<vmem_shared>> -> memref<10240x128xf32, #tpu.memory_space<vmem_shared>>
          tpu.wait_indirect_dma semaphore(%run_scoped3A : memref<!tpu.dma_semaphore, #tpu.memory_space<semaphore_mem>>) src(%arg12 : memref<40x128xf32, #tpu.memory_space<vmem>>) dst(%dma_wait3A_149 : memref<10240x128xf32, #tpu.memory_space<vmem_shared>>)
          tpu.yield
        }) : () -> ()
        %lt3A_133 = arith.constant 9 : i32
        %lt3A_134 = arith.cmpi slt, %scan3A_64, %lt3A_133 : i32
        %convert_element_type3A_135 = arith.extui %lt3A_134 : i1 to i32
        %cond3A_136 = arith.constant 0 : i32
        %cond3A_137 = arith.cmpi ne, %convert_element_type3A_135, %cond3A_136 : i32
        scf.if %cond3A_137 {
          %add3A_138 = arith.constant 4 : i32
          %add3A_139 = arith.addi %mul3A_66, %add3A_138 : i32
          %add3A_140 = arith.constant 5 : i32
          %add3A_141 = arith.addi %add3A_139, %add3A_140 : i32
          %dma_start3A_142 = arith.constant 0 : i32
          %dma_start3A_143 = tpu.memref_slice %arg6[%add3A_141, %dma_start3A_142] : memref<50x40xi32, #tpu.memory_space<vmem>> -> memref<1x40xi32, #tpu.memory_space<vmem>>
          %dma_start3A_144 = tpu.memref_squeeze %dma_start3A_143 : memref<1x40xi32, #tpu.memory_space<vmem>> -> memref<40xi32, #tpu.memory_space<vmem>>
          %dma_start3A_145 = arith.constant 0 : i32
          %dma_start3A_146 = arith.constant 0 : i32
          %dma_start3A_147 = tpu.memref_slice %arg2[%dma_start3A_145, %dma_start3A_146] : memref<10000x128xf32, #tpu.memory_space<hbm>> -> memref<10000x128xf32, #tpu.memory_space<hbm>>
          tpu.enqueue_indirect_dma source(%dma_start3A_147 : memref<10000x128xf32, #tpu.memory_space<hbm>>) target(%arg12 : memref<40x128xf32, #tpu.memory_space<vmem>>) offsets(%dma_start3A_144 : memref<40xi32, #tpu.memory_space<vmem>>) semaphore(%arg17 : memref<!tpu.dma_semaphore, #tpu.memory_space<semaphore_mem>>)
        } else {
        }
      }
      %scan3A_63 = arith.constant 10 : i32
    }
    %scan3A_17 = arith.constant 5 : i32
    %barrier3A_18 = arith.constant 0 : index
    tpu.barrier barrier_id(%barrier3A_18)
    %mul3A_19 = arith.constant 640 : i32
    %mul3A_20 = arith.muli %arg1, %mul3A_19 : i32
    %mul3A_21 = arith.constant 640 : i32
    %mul3A_22 = arith.muli %arg1, %mul3A_21 : i32
    "tpu.region"() ({
      %run_scoped3A = tpu.sem_alloc : memref<!tpu.dma_semaphore, #tpu.memory_space<semaphore_mem>>
      %dma_start3A = arith.constant 0 : i32
      %dma_start3A_23 = tpu.memref_slice %arg5[%arg0, %mul3A_22, %dma_start3A] : memref<2x10240x128xf32, #tpu.memory_space<hbm>> -> memref<1x640x128xf32, #tpu.memory_space<hbm>>
      %dma_start3A_24 = tpu.memref_squeeze %dma_start3A_23 : memref<1x640x128xf32, #tpu.memory_space<hbm>> -> memref<640x128xf32, #tpu.memory_space<hbm>>
      %dma_start3A_25 = arith.constant 0 : i32
      %dma_start3A_26 = tpu.memref_slice %arg18[%mul3A_20, %dma_start3A_25] : memref<10240x128xf32, #tpu.memory_space<vmem_shared>> -> memref<640x128xf32, #tpu.memory_space<vmem_shared>>
      tpu.enqueue_dma source(%dma_start3A_26 : memref<640x128xf32, #tpu.memory_space<vmem_shared>>) target(%dma_start3A_24 : memref<640x128xf32, #tpu.memory_space<hbm>>) target_semaphore(%run_scoped3A : memref<!tpu.dma_semaphore, #tpu.memory_space<semaphore_mem>>)
      %dma_wait3A = arith.constant 0 : i32
      %dma_wait3A_27 = tpu.memref_slice %arg5[%arg0, %mul3A_22, %dma_wait3A] : memref<2x10240x128xf32, #tpu.memory_space<hbm>> -> memref<1x640x128xf32, #tpu.memory_space<hbm>>
      %dma_wait3A_28 = tpu.memref_squeeze %dma_wait3A_27 : memref<1x640x128xf32, #tpu.memory_space<hbm>> -> memref<640x128xf32, #tpu.memory_space<hbm>>
      %dma_wait3A_29 = arith.constant 0 : i32
      %dma_wait3A_30 = tpu.memref_slice %arg18[%mul3A_20, %dma_wait3A_29] : memref<10240x128xf32, #tpu.memory_space<vmem_shared>> -> memref<640x128xf32, #tpu.memory_space<vmem_shared>>
      tpu.wait_dma2 semaphore(%run_scoped3A : memref<!tpu.dma_semaphore, #tpu.memory_space<semaphore_mem>>) src(%dma_wait3A_30 : memref<640x128xf32, #tpu.memory_space<vmem_shared>>) dst(%dma_wait3A_28 : memref<640x128xf32, #tpu.memory_space<hbm>>)
      tpu.yield
    }) : () -> ()
    return
  }
}

#map = affine_map<(d0, d1) -> (0)>
module attributes {stable_mosaic.version = 14 : i64} {
  func.func @_deg_kernel(%arg0: i32, %arg1: i32, %arg2: memref<320000xi32, #tpu.memory_space<hbm>>, %arg3: memref<320000xf32, #tpu.memory_space<hbm>>, %arg4: memref<10000xi32, #tpu.memory_space<vmem>>, %arg5: memref<10000xf32, #tpu.memory_space<vmem>>) attributes {dimension_semantics = [#tpu.dimension_semantics<core_parallel>, #tpu.dimension_semantics<subcore_parallel>], iteration_bounds = array<i64: 2, 16>, scalar_prefetch = 0 : i64, scratch_operands = 2 : i64, tpu.core_type = #tpu.core_type<sc_vector_subcore>, window_params = [{transform_indices = #map}, {transform_indices = #map}]} {
    %mul3A = arith.constant 2 : i32
    %mul3A_0 = arith.muli %arg1, %mul3A : i32
    %add3A = arith.addi %mul3A_0, %arg0 : i32
    %mul3A_1 = arith.constant 10000 : i32
    %mul3A_2 = arith.muli %add3A, %mul3A_1 : i32
    "tpu.region"() ({
      %run_scoped3A = tpu.sem_alloc : memref<!tpu.dma_semaphore, #tpu.memory_space<semaphore_mem>>
      %dma_start3A = tpu.memref_slice %arg2[%mul3A_2] : memref<320000xi32, #tpu.memory_space<hbm>> -> memref<10000xi32, #tpu.memory_space<hbm>>
      %dma_start3A_17 = tpu.memref_slice %arg2[%mul3A_2] : memref<320000xi32, #tpu.memory_space<hbm>> -> memref<10000xi32, #tpu.memory_space<hbm>>
      tpu.enqueue_dma source(%dma_start3A_17 : memref<10000xi32, #tpu.memory_space<hbm>>) target(%arg4 : memref<10000xi32, #tpu.memory_space<vmem>>) target_semaphore(%run_scoped3A : memref<!tpu.dma_semaphore, #tpu.memory_space<semaphore_mem>>)
      %dma_wait3A = tpu.memref_slice %arg2[%mul3A_2] : memref<320000xi32, #tpu.memory_space<hbm>> -> memref<10000xi32, #tpu.memory_space<hbm>>
      %dma_wait3A_18 = tpu.memref_slice %arg2[%mul3A_2] : memref<320000xi32, #tpu.memory_space<hbm>> -> memref<10000xi32, #tpu.memory_space<hbm>>
      tpu.wait_dma2 semaphore(%run_scoped3A : memref<!tpu.dma_semaphore, #tpu.memory_space<semaphore_mem>>) src(%dma_wait3A_18 : memref<10000xi32, #tpu.memory_space<hbm>>) dst(%arg4 : memref<10000xi32, #tpu.memory_space<vmem>>)
      tpu.yield
    }) : () -> ()
    %scan3A = arith.constant 0 : i32
    %scan3A_3 = arith.constant 0 : i32
    %scan3A_4 = arith.constant 625 : i32
    %scan3A_5 = arith.addi %scan3A_3, %scan3A_4 : i32
    %scan3A_6 = arith.constant 1 : i32
    scf.for %scan3A_17 = %scan3A_3 to %scan3A_5 step %scan3A_6  : i32 {
      %broadcast_in_dim3A_18 = arith.constant 0.000000e+00 : f32
      %broadcast_in_dim3A_19 = vector.broadcast %broadcast_in_dim3A_18 : f32 to vector<16xf32>
      %mul3A_20 = arith.constant 16 : i32
      %mul3A_21 = arith.muli %scan3A_17, %mul3A_20 : i32
      %swap3A = arith.index_cast %mul3A_21 : i32 to index
      %swap3A_22 = tpu.vector_load %arg5[%swap3A] {strides = array<i32>} : memref<10000xf32, #tpu.memory_space<vmem>>, vector<16xf32>,
      tpu.vector_store %arg5[%swap3A], %broadcast_in_dim3A_19 {strides = array<i32>} : memref<10000xf32, #tpu.memory_space<vmem>>, vector<16xf32>,
    }
    %scan3A_7 = arith.constant 625 : i32
    %broadcast_in_dim3A = arith.constant 1.000000e+00 : f32
    %broadcast_in_dim3A_8 = vector.broadcast %broadcast_in_dim3A : f32 to vector<16xf32>
    %scan3A_9 = arith.constant 0 : i32
    %scan3A_10 = arith.constant 0 : i32
    %scan3A_11 = arith.constant 625 : i32
    %scan3A_12 = arith.addi %scan3A_10, %scan3A_11 : i32
    %scan3A_13 = arith.constant 1 : i32
    scf.for %scan3A_17 = %scan3A_10 to %scan3A_12 step %scan3A_13  : i32 {
      %mul3A_18 = arith.constant 16 : i32
      %mul3A_19 = arith.muli %scan3A_17, %mul3A_18 : i32
      %get3A = arith.index_cast %mul3A_19 : i32 to index
      %get3A_20 = tpu.vector_load %arg4[%get3A] {strides = array<i32>} : memref<10000xi32, #tpu.memory_space<vmem>>, vector<16xi32>,
      tpu.vector_store_idx %arg5[%get3A_20], %broadcast_in_dim3A_8 {add = true} : memref<10000xf32, #tpu.memory_space<vmem>>[vector<16xi32>], vector<16xf32>,
    }
    %scan3A_14 = arith.constant 625 : i32
    %mul3A_15 = arith.constant 10000 : i32
    %mul3A_16 = arith.muli %add3A, %mul3A_15 : i32
    "tpu.region"() ({
      %run_scoped3A = tpu.sem_alloc : memref<!tpu.dma_semaphore, #tpu.memory_space<semaphore_mem>>
      %dma_start3A = tpu.memref_slice %arg3[%mul3A_16] : memref<320000xf32, #tpu.memory_space<hbm>> -> memref<10000xf32, #tpu.memory_space<hbm>>
      %dma_start3A_17 = tpu.memref_slice %arg3[%mul3A_16] : memref<320000xf32, #tpu.memory_space<hbm>> -> memref<10000xf32, #tpu.memory_space<hbm>>
      tpu.enqueue_dma source(%arg5 : memref<10000xf32, #tpu.memory_space<vmem>>) target(%dma_start3A_17 : memref<10000xf32, #tpu.memory_space<hbm>>) target_semaphore(%run_scoped3A : memref<!tpu.dma_semaphore, #tpu.memory_space<semaphore_mem>>)
      %dma_wait3A = tpu.memref_slice %arg3[%mul3A_16] : memref<320000xf32, #tpu.memory_space<hbm>> -> memref<10000xf32, #tpu.memory_space<hbm>>
      %dma_wait3A_18 = tpu.memref_slice %arg3[%mul3A_16] : memref<320000xf32, #tpu.memory_space<hbm>> -> memref<10000xf32, #tpu.memory_space<hbm>>
      tpu.wait_dma2 semaphore(%run_scoped3A : memref<!tpu.dma_semaphore, #tpu.memory_space<semaphore_mem>>) src(%arg5 : memref<10000xf32, #tpu.memory_space<vmem>>) dst(%dma_wait3A_18 : memref<10000xf32, #tpu.memory_space<hbm>>)
      tpu.yield
    }) : () -> ()
    return
  }
}

module attributes {stable_mosaic.version = 14 : i64} {
  func.func @_prep_body(%arg0: memref<10000x128xf32, #tpu.memory_space<vmem>>, %arg1: memref<128x128xf32, #tpu.memory_space<vmem>>, %arg2: memref<32x10000xf32, #tpu.memory_space<vmem>>, %arg3: memref<10000x128xf32, #tpu.memory_space<vmem>>, %arg4: memref<10000x1xf32, #tpu.memory_space<vmem>>) attributes {dimension_semantics = [], scalar_prefetch = 0 : i64, scratch_operands = 0 : i64, tpu.core_type = #tpu.core_type<tc>} {
    %get3A = arith.constant 0 : index
    %get3A_0 = arith.constant 0 : index
    %get3A_1 = vector.load %arg2[%get3A, %get3A_0] : memref<32x10000xf32, #tpu.memory_space<vmem>>, vector<32x10000xf32>
    %reduce_sum3A = arith.constant dense<0.000000e+00> : vector<10000xf32>
    %reduce_sum3A_2 = vector.multi_reduction <add>, %get3A_1, %reduce_sum3A [0] : vector<32x10000xf32> to vector<10000xf32>
    %add3A = arith.constant 1.000000e+00 : f32
    %add3A_3 = vector.broadcast %add3A : f32 to vector<10000xf32>
    %add3A_4 = arith.addf %reduce_sum3A_2, %add3A_3 : vector<10000xf32>
    %rsqrt3A = math.rsqrt %add3A_4 : vector<10000xf32>
    %get3A_5 = arith.constant 0 : index
    %get3A_6 = arith.constant 0 : index
    %get3A_7 = vector.load %arg0[%get3A_5, %get3A_6] : memref<10000x128xf32, #tpu.memory_space<vmem>>, vector<10000x128xf32>
    %get3A_8 = arith.constant 0 : index
    %get3A_9 = arith.constant 0 : index
    %get3A_10 = vector.load %arg1[%get3A_8, %get3A_9] : memref<128x128xf32, #tpu.memory_space<vmem>>, vector<128x128xf32>
    %dot_general3A = arith.constant dense<0.000000e+00> : vector<10000x128xf32>
    %dot_general3A_11 = tpu.matmul %get3A_7, %get3A_10, %dot_general3A {dimension_numbers = #tpu.dot_dimension_numbers<[1], [0], [0], [1], [0, 0, 1, 1], [], []>, transpose_lhs_hint = false} : vector<10000x128xf32>, vector<128x128xf32>, vector<10000x128xf32> -> vector<10000x128xf32>
    %broadcast_in_dim3A = vector.shape_cast %rsqrt3A : vector<10000xf32> to vector<10000x1xf32>
    %mul3A = vector.broadcast %broadcast_in_dim3A : vector<10000x1xf32> to vector<10000x128xf32>
    %mul3A_12 = arith.mulf %dot_general3A_11, %mul3A : vector<10000x128xf32>
    %swap3A = arith.constant 0 : index
    %swap3A_13 = arith.constant 0 : index
    %swap3A_14 = vector.load %arg3[%swap3A, %swap3A_13] : memref<10000x128xf32, #tpu.memory_space<vmem>>, vector<10000x128xf32>
    tpu.vector_store %arg3[%swap3A, %swap3A_13], %mul3A_12 {strides = array<i32>} : memref<10000x128xf32, #tpu.memory_space<vmem>>, vector<10000x128xf32>,
    %broadcast_in_dim3A_15 = vector.shape_cast %rsqrt3A : vector<10000xf32> to vector<10000x1xf32>
    %swap3A_16 = arith.constant 0 : index
    %swap3A_17 = arith.constant 0 : index
    %swap3A_18 = vector.load %arg4[%swap3A_16, %swap3A_17] : memref<10000x1xf32, #tpu.memory_space<vmem>>, vector<10000x1xf32>
    tpu.vector_store %arg4[%swap3A_16, %swap3A_17], %broadcast_in_dim3A_15 {strides = array<i32>} : memref<10000x1xf32, #tpu.memory_space<vmem>>, vector<10000x1xf32>,
    return
  }
}

module attributes {stable_mosaic.version = 14 : i64} {
  func.func @_post_body(%arg0: memref<2x10240x128xf32, #tpu.memory_space<vmem>>, %arg1: memref<10000x128xf32, #tpu.memory_space<vmem>>, %arg2: memref<10000x1xf32, #tpu.memory_space<vmem>>, %arg3: memref<1x128xf32, #tpu.memory_space<vmem>>, %arg4: memref<1x128xf32, #tpu.memory_space<vmem>>, %arg5: memref<1x128xf32, #tpu.memory_space<vmem>>, %arg6: memref<10000x128xf32, #tpu.memory_space<vmem>>) attributes {dimension_semantics = [], scalar_prefetch = 0 : i64, scratch_operands = 0 : i64, tpu.core_type = #tpu.core_type<tc>} {
    %get3A = arith.constant 0 : index
    %get3A_0 = arith.constant 0 : index
    %get3A_1 = arith.constant 0 : index
    %get3A_2 = vector.load %arg0[%get3A, %get3A_0, %get3A_1] : memref<2x10240x128xf32, #tpu.memory_space<vmem>>, vector<1x10000x128xf32>
    %get3A_3 = vector.shape_cast %get3A_2 : vector<1x10000x128xf32> to vector<10000x128xf32>
    %get3A_4 = arith.constant 1 : index
    %get3A_5 = arith.constant 0 : index
    %get3A_6 = arith.constant 0 : index
    %get3A_7 = vector.load %arg0[%get3A_4, %get3A_5, %get3A_6] : memref<2x10240x128xf32, #tpu.memory_space<vmem>>, vector<1x10000x128xf32>
    %get3A_8 = vector.shape_cast %get3A_7 : vector<1x10000x128xf32> to vector<10000x128xf32>
    %add3A = arith.addf %get3A_3, %get3A_8 : vector<10000x128xf32>
    %get3A_9 = arith.constant 0 : index
    %get3A_10 = arith.constant 0 : index
    %get3A_11 = vector.load %arg1[%get3A_9, %get3A_10] : memref<10000x128xf32, #tpu.memory_space<vmem>>, vector<10000x128xf32>
    %add3A_12 = arith.addf %add3A, %get3A_11 : vector<10000x128xf32>
    %get3A_13 = arith.constant 0 : index
    %get3A_14 = arith.constant 0 : index
    %get3A_15 = vector.load %arg2[%get3A_13, %get3A_14] : memref<10000x1xf32, #tpu.memory_space<vmem>>, vector<10000x1xf32>
    %mul3A = vector.broadcast %get3A_15 : vector<10000x1xf32> to vector<10000x128xf32>
    %mul3A_16 = arith.mulf %add3A_12, %mul3A : vector<10000x128xf32>
    %get3A_17 = arith.constant 0 : index
    %get3A_18 = arith.constant 0 : index
    %get3A_19 = vector.load %arg3[%get3A_17, %get3A_18] : memref<1x128xf32, #tpu.memory_space<vmem>>, vector<1x128xf32>
    %add3A_20 = vector.broadcast %get3A_19 : vector<1x128xf32> to vector<10000x128xf32>
    %add3A_21 = arith.addf %mul3A_16, %add3A_20 : vector<10000x128xf32>
    %ge3A = arith.constant 0.000000e+00 : f32
    %ge3A_22 = vector.broadcast %ge3A : f32 to vector<10000x128xf32>
    %ge3A_23 = arith.cmpf oge, %add3A_21, %ge3A_22 : vector<10000x128xf32>
    %mul3A_24 = arith.constant 0.00999999977 : f32
    %mul3A_25 = vector.broadcast %mul3A_24 : f32 to vector<10000x128xf32>
    %mul3A_26 = arith.mulf %mul3A_25, %add3A_21 : vector<10000x128xf32>
    %select_n3A = arith.select %ge3A_23, %add3A_21, %mul3A_26 : vector<10000x128xi1>, vector<10000x128xf32>
    %reduce_sum3A = arith.constant dense<0.000000e+00> : vector<128xf32>
    %reduce_sum3A_27 = vector.multi_reduction <add>, %select_n3A, %reduce_sum3A [0] : vector<10000x128xf32> to vector<128xf32>
    %broadcast_in_dim3A = vector.shape_cast %reduce_sum3A_27 : vector<128xf32> to vector<1x128xf32>
    %div3A = arith.constant 1.000000e+04 : f32
    %div3A_28 = vector.broadcast %div3A : f32 to vector<1x128xf32>
    %div3A_29 = arith.divf %broadcast_in_dim3A, %div3A_28 : vector<1x128xf32>
    %sub3A = vector.broadcast %div3A_29 : vector<1x128xf32> to vector<10000x128xf32>
    %sub3A_30 = arith.subf %select_n3A, %sub3A : vector<10000x128xf32>
    %integer_pow3A = arith.mulf %sub3A_30, %sub3A_30 : vector<10000x128xf32>
    %reduce_sum3A_31 = arith.constant dense<0.000000e+00> : vector<128xf32>
    %reduce_sum3A_32 = vector.multi_reduction <add>, %integer_pow3A, %reduce_sum3A_31 [0] : vector<10000x128xf32> to vector<128xf32>
    %broadcast_in_dim3A_33 = vector.shape_cast %reduce_sum3A_32 : vector<128xf32> to vector<1x128xf32>
    %div3A_34 = arith.constant 1.000000e+04 : f32
    %div3A_35 = vector.broadcast %div3A_34 : f32 to vector<1x128xf32>
    %div3A_36 = arith.divf %broadcast_in_dim3A_33, %div3A_35 : vector<1x128xf32>
    %sub3A_37 = vector.broadcast %div3A_29 : vector<1x128xf32> to vector<10000x128xf32>
    %sub3A_38 = arith.subf %select_n3A, %sub3A_37 : vector<10000x128xf32>
    %add3A_39 = arith.constant 9.99999974E-6 : f32
    %add3A_40 = vector.broadcast %add3A_39 : f32 to vector<1x128xf32>
    %add3A_41 = arith.addf %div3A_36, %add3A_40 : vector<1x128xf32>
    %rsqrt3A = math.rsqrt %add3A_41 : vector<1x128xf32>
    %mul3A_42 = vector.broadcast %rsqrt3A : vector<1x128xf32> to vector<10000x128xf32>
    %mul3A_43 = arith.mulf %sub3A_38, %mul3A_42 : vector<10000x128xf32>
    %get3A_44 = arith.constant 0 : index
    %get3A_45 = arith.constant 0 : index
    %get3A_46 = vector.load %arg4[%get3A_44, %get3A_45] : memref<1x128xf32, #tpu.memory_space<vmem>>, vector<1x128xf32>
    %mul3A_47 = vector.broadcast %get3A_46 : vector<1x128xf32> to vector<10000x128xf32>
    %mul3A_48 = arith.mulf %mul3A_43, %mul3A_47 : vector<10000x128xf32>
    %get3A_49 = arith.constant 0 : index
    %get3A_50 = arith.constant 0 : index
    %get3A_51 = vector.load %arg5[%get3A_49, %get3A_50] : memref<1x128xf32, #tpu.memory_space<vmem>>, vector<1x128xf32>
    %add3A_52 = vector.broadcast %get3A_51 : vector<1x128xf32> to vector<10000x128xf32>
    %add3A_53 = arith.addf %mul3A_48, %add3A_52 : vector<10000x128xf32>
    %swap3A = arith.constant 0 : index
    %swap3A_54 = arith.constant 0 : index
    %swap3A_55 = vector.load %arg6[%swap3A, %swap3A_54] : memref<10000x128xf32, #tpu.memory_space<vmem>>, vector<10000x128xf32>
    tpu.vector_store %arg6[%swap3A, %swap3A_54], %add3A_53 {strides = array<i32>} : memref<10000x128xf32, #tpu.memory_space<vmem>>, vector<10000x128xf32>,
    return
  }
}

</mosaic_0001>

<sc_bundles>
// kernel: kernel.6.cloned.1.call-start
scs
__scs_entry_jumppad:
0x0: {  	(pc) =	sbr.rel $0x88, $3  }
0x1: {  	(tag) =	ssettag $0x0;
	lr =	simm.s32 $0x1  }
0x2: {  	[smem:$0x3F9B] =	sst lr;
	_ =	strace $0xD0000000  }
0x3: {  	_ = 	snop  }
0x4: {  	_ = 	snop  }
0x5: {  	_ = 	snop  }
0x6: {  	_ = 	snop  }
0x7: {  	_ = 	snop  }
__scs_overlays_trampoline_lowered:
0x8: {  	[smem:$0x3FAA] =	sst s0  }
0x9: {  	[smem:$0x3FAB] =	sst s1  }
0xa: {  	[smem:$0x3FAC] =	sst s2  }
0xb: {  	[smem:$0x3FAD] =	sst s3  }
0xc: {  	[smem:$0x3FAE] =	sst s4  }
0xd: {  	[smem:$0x3FAF] =	sst s5  }
0xe: {  	[smem:$0x3FB0] =	sst s6  }
0xf: {  	[smem:$0x3FB1] =	sst s7  }
0x10: {  	[smem:$0x3FB2] =	sst s8  }
0x11: {  	[smem:$0x3FB3] =	sst s9;
	s0 =	simm.s32 @!p0 $0x0  }
0x12: {  	s1 =	sld [smem:$0x3F99];
	s0 =	simm.s32 @p0 $0x1  }
0x13: {  	[smem:$0x3FB4] =	sst s0;
	s0 =	simm.s32 @!p1 $0x0  }
0x14: {  	s2 =	sld [smem:$0x3F98];
	s0 =	simm.s32 @p1 $0x1  }
0x15: {  	[smem:$0x3FB5] =	sst s0;
	s0 =	simm.s32 @!p2 $0x0  }
0x16: {  	s3 =	sld [smem:$0x3FDB];
	s0 =	simm.s32 @p2 $0x1  }
0x17: {  	s4 =	simm.s32 $0x1BF5;
	[smem:$0x3FB7] =	sst s0  }
0x18: {  	s0 =	sld [smem:$0x3F9A];
	_ =	swait.ge [sflag:s4], $0x0  }
0x19: {  	s7 =	sld [smem:$0x3F9B]  }
0x1a: {  	s8 =	sadd.s32 $0xFFFFE003, lr  }
0x1b: {  	s9 =	sadd.s32 $0xFFFFFEF7, lr;
	s5 =	simm.s32 $0xFFFFFFFF;
	p2 =	slt.u32 s8, $0xFFFFF086  }
0x1c: {  	p1 =	slt.u32 s9, $0xF7A;
	s5 =	simm.s32 @!p2 $0x0  }
0x1d: {  	s5 =	simm.s32 @p1 $0x1;
	p0 =	seq.s32 s7, s2  }
0x1e: {  	s7 =	smul.u32 @!p0 $0xF7A, s2;
	p2 =	seq.s32 @!p0 s5, $0x0  }
0x1f: {  	s9 =	smul.u32 $0xF7A, s1;
	s8 =	simm.s32 @!p0 $0x1BF5;
	p2 =	por !p2, p0  }
0x20: {  	[sflag:s8] =	ssyncset.s32 @!p0 $0xFFFFF086;
	s6 =	sadd.s32 @!p0 s3, s7;
	s7 =	simm.s32 @!p0 $0x108  }
0x21: {  	s3 =	sadd.s32 s3, s9;
	s6 =	sadd.s32 @!p0 $0x88, s6;
	s7 =	simm.s32 @p2 $0x1082  }
0x22: {  	[simem:s7], [sflag:s8] =	dma.local @!p0 [hbm:s6], $0xF7A  }
0x23: {  	s9 =	sor.u32 $0xD0000000, s2;
	s6 =	simm.s32 $0x108;
	_ =	swait.ge @!p0 [sflag:s8], $0x0  }
0x24: {  	s3 =	sadd.s32 $0x88, s3;
	s6 =	simm.s32 @!p1 $0x1082;
	[sflag:s4] =	ssyncset.s32 $0xFFFFF086  }
0x25: {  	[simem:s6], [sflag:s4] =	dma.local [hbm:s3], $0xF7A  }
0x26: {  	[smem:$0x3F9B] =	sst s1;
	(tag) =	ssettag s2;
	_ =	strace s9  }
0x27: {  	s1 =	sld [smem:$0x3FAB]  }
0x28: {  	s2 =	sld [smem:$0x3FAC]  }
0x29: {  	s4 =	sld [smem:$0x3FAE]  }
0x2a: {  	p0 =	seq.s32 s5, $0x0;
	s5 =	sld [smem:$0x3FAF]  }
0x2b: {  	s6 =	sld [smem:$0x3FB0]  }
0x2c: {  	s7 =	sld [smem:$0x3FB1]  }
0x2d: {  	s3 =	simm.s32 $0x108;
	s8 =	sld [smem:$0x3FB2]  }
0x2e: {  	s3 =	simm.s32 @!p0 $0x1082;
	s9 =	sld [smem:$0x3FB3]  }
0x2f: {  	lr =	sadd.s32 s0, s3;
	s0 =	sld [smem:$0x3FAA]  }
0x30: {  	s3 =	sld [smem:$0x3FAD]  }
0x31: {  	[smem:$0x3FB6] =	sst s10  }
0x32: {  	s10 =	sld [smem:$0x3FB4];
	_ =	sdelay $0x3  }
0x33: {  	p0 =	seq.s32 s10, $0x1;
	s10 =	sld [smem:$0x3FB6];
	_ =	sdelay $0x3  }
0x34: {  	[smem:$0x3FB6] =	sst s10  }
0x35: {  	s10 =	sld [smem:$0x3FB5];
	_ =	sdelay $0x3  }
0x36: {  	p1 =	seq.s32 s10, $0x1;
	s10 =	sld [smem:$0x3FB6];
	_ =	sdelay $0x3  }
0x37: {  	[smem:$0x3FB6] =	sst s10  }
0x38: {  	s10 =	sld [smem:$0x3FB7]  }
0x39: {  	_ = 	snop;
	(pc) =	sbr.ind lr, $3  }
0x3a: {  	_ = 	snop  }
0x3b: {  	_ = 	snop  }
0x3c: {  	p2 =	seq.s32 s10, $0x1;
	s10 =	sld [smem:$0x3FB6]  }
0x3d: {  	_ =	shalt  }
0x3e: {  	_ =	shalt  }
0x3f: {  	_ =	shalt  }
0x40: {  	_ =	shalt  }
0x41: {  	_ =	shalt  }
0x42: {  	_ =	shalt  }
0x43: {  	_ =	shalt  }
0x44: {  	_ =	shalt  }
0x45: {  	_ =	shalt  }
0x46: {  	_ =	shalt  }
0x47: {  	_ =	shalt  }
0x48: {  	_ =	shalt  }
0x49: {  	_ =	shalt  }
0x4a: {  	_ =	shalt  }
0x4b: {  	_ =	shalt  }
0x4c: {  	_ =	shalt  }
0x4d: {  	_ =	shalt  }
0x4e: {  	_ =	shalt  }
0x4f: {  	_ =	shalt  }
0x50: {  	_ =	shalt  }
0x51: {  	_ =	shalt  }
0x52: {  	_ =	shalt  }
0x53: {  	_ =	shalt  }
0x54: {  	_ =	shalt  }
0x55: {  	_ =	shalt  }
0x56: {  	_ =	shalt  }
0x57: {  	_ =	shalt  }
0x58: {  	_ =	shalt  }
0x59: {  	_ =	shalt  }
0x5a: {  	_ =	shalt  }
0x5b: {  	_ =	shalt  }
0x5c: {  	_ =	shalt  }
0x5d: {  	_ =	shalt  }
0x5e: {  	_ =	shalt  }
0x5f: {  	_ =	shalt  }
0x60: {  	_ =	shalt  }
0x61: {  	_ =	shalt  }
0x62: {  	_ =	shalt  }
0x63: {  	_ =	shalt  }
0x64: {  	_ =	shalt  }
0x65: {  	_ =	shalt  }
0x66: {  	_ =	shalt  }
0x67: {  	_ =	shalt  }
0x68: {  	_ =	shalt  }
0x69: {  	_ =	shalt  }
0x6a: {  	_ =	shalt  }
0x6b: {  	_ =	shalt  }
0x6c: {  	_ =	shalt  }
0x6d: {  	_ =	shalt  }
0x6e: {  	_ =	shalt  }
0x6f: {  	_ =	shalt  }
0x70: {  	_ =	shalt  }
0x71: {  	_ =	shalt  }
0x72: {  	_ =	shalt  }
0x73: {  	_ =	shalt  }
0x74: {  	_ =	shalt  }
0x75: {  	_ =	shalt  }
0x76: {  	_ =	shalt  }
0x77: {  	_ =	shalt  }
0x78: {  	_ =	shalt  }
0x79: {  	_ =	shalt  }
0x7a: {  	_ =	shalt  }
0x7b: {  	_ =	shalt  }
0x7c: {  	_ =	shalt  }
0x7d: {  	_ =	shalt  }
0x7e: {  	_ =	shalt  }
0x7f: {  	_ =	shalt  }
0x80: {  	_ =	shalt  }
0x81: {  	_ =	shalt  }
0x82: {  	_ =	shalt  }
0x83: {  	_ =	shalt  }
0x84: {  	_ =	shalt  }
0x85: {  	_ =	shalt  }
0x86: {  	_ =	shalt  }
0x87: {  	_ =	shalt  }
.Lfunc_end0:
.L_simem_size_0:
called_computation_lowered:
.L_overlay_start_0:
0x88: {  	s2 =	sld [smem:$0x3FD9]  }
0x89: {  	s3 =	sld [smem:$0x3FFE];
	_ =	sdelay $0x1  }
0x8a: {  	s1 =	srdreg.scid  }
0x8b: {  	s0 =	sand.u32 $0x1, s1  }
0x8c: {  	s17 =	sshll.u32 s0, $0xA;
	s2 =	sadd.s32 s3, s2  }
0x8d: {  	s2 =	sadd.s32 s2, s17  }
0x8e: {  	[smem:$0x3FC2] =	sst s2  }
0x8f: {  	_ = 	snop  }
0x90: {  	s2 =	sld [smem:$0x3FD0];
	(tm) =	ssettm $0x1  }
0x91: {  	s18 =	sld [smem:$0x3FFB];
	_ =	sdelay $0x3  }
0x92: {  	_ =	strace s18  }
0x93: {  	s3 =	sld [smem:$0x3FFC];
	_ =	sdelay $0x3  }
0x94: {  	_ =	strace s3  }
0x95: {  	s3 =	sld [smem:$0x3FFD];
	_ =	sdelay $0x3  }
0x96: {  	_ =	strace s3  }
0x97: {  	_ =	strace $0x8FFFFFFF  }
0x98: {  	s19 =	sld [smem:$0x3FDB];
	_ =	sdelay $0x1  }
0x99: {  	s4 =	simm.s32 $_scs_section_size  }
0x9a: {  	s5 =	simm.s32 $_size__tile_overlayer_lowered;
	s6 =	simm.s32 $_tile_overlayer_lowered  }
0x9b: {  	s22 =	simm.s32 $0x1BFF;
	s21 =	sshll.u32 s6, $0x1;
	s3 =	sadd.s32 s4, s19  }
0x9c: {  	s7 =	simm.s32 $0x0;
	s20 =	sshll.u32 s5, $0x1;
	s5 =	sadd.s32 s21, s3  }
0x9d: {  	[timem:s7], [sflag:s22] =	dma.local [hbm:s5], s20  }
0x9e: {  	_ =	swait.ge [sflag:s22], s20  }
0x9f: {  	s4 =	ssub.s32 $0x0, s20;
	[sflag:s22] =	ssyncset.done $0x0  }
0xa0: {  	[sflag:s22] =	ssyncadd.s32 s4;
	_ =	sdelay $0x1  }
0xa1: {  	s23 =	simm.s32 $0x1B8B  }
0xa2: {  	_ =	swait.ge [sflag:s23], $0x1  }
0xa3: {  	[sflag:s23] =	ssyncset.done $0x0  }
0xa4: {  	s25 =	simm.s32 $0x1B8E;
	s24 =	sld [smem:$0x3FFE];
	[sflag:s23] =	ssyncadd.s32 $0xFFFFFFFF  }
0xa5: {  	s26 =	simm.s32 $execute0_lowered;
	[smem:$0x3FD2] =	sst s25  }
0xa6: {  	s5 =	sshll.u32 s26, $0x1;
	_ =	strace $0x80000046;
	[dreg:$0x1] =	wrdreg $0xFFFFFFFF  }
0xa7: {  	s28 =	simm.s32 $_size_execute0_lowered;
	s3 =	sadd.s32 s3, s5;
	[dreg:$0x0] =	wrdreg $0x0  }
0xa8: {  	s5 =	sshll.u32 s28, $0x1;
	[dreg:$0x2] =	wrdreg s3  }
0xa9: {  	[dreg:$0x3] =	wrdreg s5  }
0xaa: {  	[dreg:$0x4] =	wrdreg $0xC0  }
0xab: {  	_ =	task [dreg:s7], $0x5FFFF  }
0xac: {  	[dreg:$0x1] =	wrdreg $0xFFFFFFFF  }
0xad: {  	[dreg:$0x0] =	wrdreg $0x60  }
0xae: {  	[dreg:$0x2] =	wrdreg s2  }
0xaf: {  	[dreg:$0x3] =	wrdreg s24  }
0xb0: {  	[dreg:$0x4] =	wrdreg $0x9  }
0xb1: {  	_ =	task.clear_ibuf [dreg:s7], $0x5FFFF;
	_ =	strace $0x90000046  }
0xb2: {  	s29 =	simm.s32 $0x9;
	_ =	strace $0x80000048  }
0xb3: {  	_ =	swait.ge [sflag:s29], $0x1  }
0xb4: {  	[sflag:s29] =	ssyncadd.s32 $0xFFFFFFFF  }
0xb5: {  	_ =	strace $0x90000048  }
0xb6: {  	_ =	sfence  }
0xb7: {  	s30 =	sld [smem:$0x0];
	_ =	sdelay $0x2  }
0xb8: {  	s31 =	sshll.u32 s1, $0xD;
	s1 =	sshrl.u32 s1, $0x2  }
0xb9: {  	s3 =	sand.u32 $0x4000, s31;
	s1 =	sadd.s32 s1, s30  }
0xba: {  	s0 =	sor.u32 s3, s0;
	s1 =	sshll.u32 s1, $0x11  }
0xbb: {  	s0 =	sor.u32 s1, s0  }
0xbc: {  	s0 =	sadd.s32 $0x8F2B, s0  }
0xbd: {  	[sflag:s0] =	ssyncadd.remote.s32 $0x1  }
0xbe: {  	_ =	sfence.sel $0xFFFF  }
0xbf: {  	[dreg:$0x0] =	wrdreg $0xFFFFFFFF;
	(pc) =	sbr.abs _section_cstart, $3  }
0xc0: {  	[dreg:$0x1] =	wrdreg $0xFFFFFFFF  }
0xc1: {  	_ =	task.clear_ibuf [dreg:s7], $0x2FFFF;
	_ =	strace $0x9FFFFFFF  }
0xc2: {  	(tm) =	ssettm $0x7FFFFFFF  }
0xc3: {  	_ =	shalt  }
tec
execute0_lowered:
.L_overlay_start_1:
0x0: {  	(tag) =	ssettag $0x1  }
0x1: {  	s3 =	rddreg [dreg:$0x0];
	s1 =	srdreg.scid  }
0x2: {  	s0 =	stileid.u32;
	s4 =	rddreg [dreg:$0x1]  }
0x3: {  	s8 =	simm.s32 $0x0;
	s5 =	sand.u32 $0x1, s1;
	s2 =	sshll.u32 s0, $0x1  }
0x4: {  	s6 =	sor.u32 s5, s2;
	s2 =	simm.s32 $0x0;
	s5 =	ssub.s32 $0x2, s5  }
0x5: {  	s6 =	smul.u32 $0x4E2, s6;
	[smem:$0x7FF] =	sst s2;
	s7 =	sshrl.u32 s5, $0x1  }
0x6: {  	s1 =	rddreg [dreg:$0x2];
	_ =	strace $0x80000047;
	s5 =	ssub.s32 s5, s7  }
0x7: {  	s7 =	simm.s32 $0x2780;
	s4 =	sadd.s32 s6, s4;
	s3 =	sadd.s32 s3, s6  }
0x8: {  	v0 =	vimm.f32 $0.0e+00;
	v1 =	vimm.f32 $1.000000000e+00;
	s5 =	smax.u32 s5, $0x1;
	s6 =	simm.s32 $0x1;
	s4 =	sadd.s32 $0x2000, s4  }
.LBB2_1:
0x9: {  	[tilespmem:s2], [sflag:$0x1] =	stream.linear.gather [hbm4b:s3+s2], $0x2710, $0x38;
	[tilespmem:$0x4F00] =	vst v63  }
0xa: {  	_ =	swait.ge [sflag:s6], $0x2710  }
0xb: {  	[sflag:s6] =	ssyncset.done $0x0  }
0xc: {  	s9 =	simm.s32 $0x0;
	[sflag:s6] =	ssyncadd.s32 $0xFFFFD8F0  }
.LBB2_2:
0xd: {  	p0 =	sne.s32 s9, $0x9C00  }
.Ltmp0:
0xe: {  	_ = 	snop;
	(pc) =	sbr.rel @p0 .LBB2_2-.Ltmp0, $3  }
0xf: {  	_ =	sdelay $0x1  }
0x10: {  	s10 =	sshra.s32 s9, $0x2  }
0x11: {  	s9 =	sadd.s32 $0x40, s9;
	[tilespmem:s10+$0x2780] =	vst v0  }
0x12: {  	s10 =	simm.s32 $0x0;
	s9 =	simm.s32 $0x40  }
.LBB2_4:
0x13: {  	p0 =	sne.s32 s9, $0x9C00;
	v2 =	vld [tilespmem:s10+$0x0];
	_ =	sdelay $0x3  }
.Ltmp1:
0x14: {  	(pc) =	sbr.rel @p0 .LBB2_4-.Ltmp1, $2  }
0x15: {  	_ =	sdelay $0x2  }
0x16: {  	s10 =	sshra.s32 s9, $0x2;
	s9 =	sadd.s32 $0x40, s9;
	[tilespmem:v2+s7+$0x0] =	vst.idx.add.f32.msk $0xffff, v1  }
0x17: {  	v2 =	vld [tilespmem:s10+$0x0];
	_ =	sdelay $0x5  }
0x18: {  	s8 =	sadd.s32 $0x1, s8  }
0x19: {  	p0 =	sne.s32 s8, s5  }
.Ltmp2:
0x1a: {  	[tilespmem:v2+s7+$0x0] =	vst.idx.add.f32.msk $0xffff, v1;
	(pc) =	sbr.rel @p0 .LBB2_1-.Ltmp2, $4  }
0x1b: {  	[hbm4b:s4+s2] =	stream.linear.scatter [tilespmem:s7], [sflag:$0x1], $0x2710, $0x38;
	[tilespmem:$0x4F00] =	vst v63  }
0x1c: {  	_ =	swait.ge [sflag:s6], $0x2710  }
0x1d: {  	[sflag:s6] =	ssyncset.done $0x0  }
0x1e: {  	[sflag:s6] =	ssyncadd.s32 $0xFFFFD8F0  }
0x1f: {  	_ =	sfence.sel $0x180000  }
0x20: {  	[bflag:$0x0] =	sbarrier.arrive $0xFFFF  }
0x21: {  	p0 =	sne.s32 s0, $0x0;
	_ =	strace $0x90000047  }
0x22: {  	s0 =	sadd.s32 @!p0 $0x100000, s1;
	[bflag:$0x2] =	sbarrier.arrive $0xFFFF  }
0x23: {  	[sflag:s0] =	ssyncadd.tile.s32 @!p0 $0x1;
	_ =	shalt  }
.Lfunc_end2:
_tile_overlayer_lowered:
.L_overlay_start_2:
0x24: {  	(tag) =	ssettag $0x2  }
0x25: {  	s0 =	rddreg [dreg:$0x0];
	s2 =	stileid.u32  }
0x26: {  	s1 =	rddreg [dreg:$0x1];
	p0 =	sne.s32 s2, $0x0  }
0x27: {  	s3 =	rddreg [dreg:$0x2];
	[bflag:$0x3] =	sbarrier.arrive $0xFFFF;
	s2 =	simm.s32 @!p0 $0x1C01  }
0x28: {  	[timem:s3], [sflag:s2] =	dma.local @!p0 [hbm:s0], s1  }
0x29: {  	s0 =	simm.s32 @!p0 $0x1  }
0x2a: {  	_ =	swait.ge @!p0 [sflag:s0], s1  }
0x2b: {  	s1 =	ssub.s32 @!p0 $0x0, s1;
	[sflag:s0] =	ssyncset.done @!p0 $0x0  }
0x2c: {  	[sflag:s0] =	ssyncadd.s32 @!p0 s1  }
0x2d: {  	[bflag:$0x3] =	sbarrier.arrive $0xFFFF  }
0x2e: {  	_ =	shalt  }

// kernel: kernel.9.cloned.1.call-start
scs
__scs_entry_jumppad:
0x0: {  	(pc) =	sbr.rel $0x88, $3  }
0x1: {  	(tag) =	ssettag $0x0;
	lr =	simm.s32 $0x1  }
0x2: {  	[smem:$0x3F9B] =	sst lr;
	_ =	strace $0xD0000000  }
0x3: {  	_ = 	snop  }
0x4: {  	_ = 	snop  }
0x5: {  	_ = 	snop  }
0x6: {  	_ = 	snop  }
0x7: {  	_ = 	snop  }
__scs_overlays_trampoline_lowered:
0x8: {  	[smem:$0x3FAA] =	sst s0  }
0x9: {  	[smem:$0x3FAB] =	sst s1  }
0xa: {  	[smem:$0x3FAC] =	sst s2  }
0xb: {  	[smem:$0x3FAD] =	sst s3  }
0xc: {  	[smem:$0x3FAE] =	sst s4  }
0xd: {  	[smem:$0x3FAF] =	sst s5  }
0xe: {  	[smem:$0x3FB0] =	sst s6  }
0xf: {  	[smem:$0x3FB1] =	sst s7  }
0x10: {  	[smem:$0x3FB2] =	sst s8  }
0x11: {  	[smem:$0x3FB3] =	sst s9;
	s0 =	simm.s32 @!p0 $0x0  }
0x12: {  	s1 =	sld [smem:$0x3F99];
	s0 =	simm.s32 @p0 $0x1  }
0x13: {  	[smem:$0x3FB4] =	sst s0;
	s0 =	simm.s32 @!p1 $0x0  }
0x14: {  	s2 =	sld [smem:$0x3F98];
	s0 =	simm.s32 @p1 $0x1  }
0x15: {  	[smem:$0x3FB5] =	sst s0;
	s0 =	simm.s32 @!p2 $0x0  }
0x16: {  	s3 =	sld [smem:$0x3FDB];
	s0 =	simm.s32 @p2 $0x1  }
0x17: {  	s4 =	simm.s32 $0x1BF5;
	[smem:$0x3FB7] =	sst s0  }
0x18: {  	s0 =	sld [smem:$0x3F9A];
	_ =	swait.ge [sflag:s4], $0x0  }
0x19: {  	s7 =	sld [smem:$0x3F9B]  }
0x1a: {  	s8 =	sadd.s32 $0xFFFFE003, lr  }
0x1b: {  	s9 =	sadd.s32 $0xFFFFFEF7, lr;
	s5 =	simm.s32 $0xFFFFFFFF;
	p2 =	slt.u32 s8, $0xFFFFF086  }
0x1c: {  	p1 =	slt.u32 s9, $0xF7A;
	s5 =	simm.s32 @!p2 $0x0  }
0x1d: {  	s5 =	simm.s32 @p1 $0x1;
	p0 =	seq.s32 s7, s2  }
0x1e: {  	s7 =	smul.u32 @!p0 $0xF7A, s2;
	p2 =	seq.s32 @!p0 s5, $0x0  }
0x1f: {  	s9 =	smul.u32 $0xF7A, s1;
	s8 =	simm.s32 @!p0 $0x1BF5;
	p2 =	por !p2, p0  }
0x20: {  	[sflag:s8] =	ssyncset.s32 @!p0 $0xFFFFF086;
	s6 =	sadd.s32 @!p0 s3, s7;
	s7 =	simm.s32 @!p0 $0x108  }
0x21: {  	s3 =	sadd.s32 s3, s9;
	s6 =	sadd.s32 @!p0 $0x88, s6;
	s7 =	simm.s32 @p2 $0x1082  }
0x22: {  	[simem:s7], [sflag:s8] =	dma.local @!p0 [hbm:s6], $0xF7A  }
0x23: {  	s9 =	sor.u32 $0xD0000000, s2;
	s6 =	simm.s32 $0x108;
	_ =	swait.ge @!p0 [sflag:s8], $0x0  }
0x24: {  	s3 =	sadd.s32 $0x88, s3;
	s6 =	simm.s32 @!p1 $0x1082;
	[sflag:s4] =	ssyncset.s32 $0xFFFFF086  }
0x25: {  	[simem:s6], [sflag:s4] =	dma.local [hbm:s3], $0xF7A  }
0x26: {  	[smem:$0x3F9B] =	sst s1;
	(tag) =	ssettag s2;
	_ =	strace s9  }
0x27: {  	s1 =	sld [smem:$0x3FAB]  }
0x28: {  	s2 =	sld [smem:$0x3FAC]  }
0x29: {  	s4 =	sld [smem:$0x3FAE]  }
0x2a: {  	p0 =	seq.s32 s5, $0x0;
	s5 =	sld [smem:$0x3FAF]  }
0x2b: {  	s6 =	sld [smem:$0x3FB0]  }
0x2c: {  	s7 =	sld [smem:$0x3FB1]  }
0x2d: {  	s3 =	simm.s32 $0x108;
	s8 =	sld [smem:$0x3FB2]  }
0x2e: {  	s3 =	simm.s32 @!p0 $0x1082;
	s9 =	sld [smem:$0x3FB3]  }
0x2f: {  	lr =	sadd.s32 s0, s3;
	s0 =	sld [smem:$0x3FAA]  }
0x30: {  	s3 =	sld [smem:$0x3FAD]  }
0x31: {  	[smem:$0x3FB6] =	sst s10  }
0x32: {  	s10 =	sld [smem:$0x3FB4];
	_ =	sdelay $0x3  }
0x33: {  	p0 =	seq.s32 s10, $0x1;
	s10 =	sld [smem:$0x3FB6];
	_ =	sdelay $0x3  }
0x34: {  	[smem:$0x3FB6] =	sst s10  }
0x35: {  	s10 =	sld [smem:$0x3FB5];
	_ =	sdelay $0x3  }
0x36: {  	p1 =	seq.s32 s10, $0x1;
	s10 =	sld [smem:$0x3FB6];
	_ =	sdelay $0x3  }
0x37: {  	[smem:$0x3FB6] =	sst s10  }
0x38: {  	s10 =	sld [smem:$0x3FB7]  }
0x39: {  	_ = 	snop;
	(pc) =	sbr.ind lr, $3  }
0x3a: {  	_ = 	snop  }
0x3b: {  	_ = 	snop  }
0x3c: {  	p2 =	seq.s32 s10, $0x1;
	s10 =	sld [smem:$0x3FB6]  }
0x3d: {  	_ =	shalt  }
0x3e: {  	_ =	shalt  }
0x3f: {  	_ =	shalt  }
0x40: {  	_ =	shalt  }
0x41: {  	_ =	shalt  }
0x42: {  	_ =	shalt  }
0x43: {  	_ =	shalt  }
0x44: {  	_ =	shalt  }
0x45: {  	_ =	shalt  }
0x46: {  	_ =	shalt  }
0x47: {  	_ =	shalt  }
0x48: {  	_ =	shalt  }
0x49: {  	_ =	shalt  }
0x4a: {  	_ =	shalt  }
0x4b: {  	_ =	shalt  }
0x4c: {  	_ =	shalt  }
0x4d: {  	_ =	shalt  }
0x4e: {  	_ =	shalt  }
0x4f: {  	_ =	shalt  }
0x50: {  	_ =	shalt  }
0x51: {  	_ =	shalt  }
0x52: {  	_ =	shalt  }
0x53: {  	_ =	shalt  }
0x54: {  	_ =	shalt  }
0x55: {  	_ =	shalt  }
0x56: {  	_ =	shalt  }
0x57: {  	_ =	shalt  }
0x58: {  	_ =	shalt  }
0x59: {  	_ =	shalt  }
0x5a: {  	_ =	shalt  }
0x5b: {  	_ =	shalt  }
0x5c: {  	_ =	shalt  }
0x5d: {  	_ =	shalt  }
0x5e: {  	_ =	shalt  }
0x5f: {  	_ =	shalt  }
0x60: {  	_ =	shalt  }
0x61: {  	_ =	shalt  }
0x62: {  	_ =	shalt  }
0x63: {  	_ =	shalt  }
0x64: {  	_ =	shalt  }
0x65: {  	_ =	shalt  }
0x66: {  	_ =	shalt  }
0x67: {  	_ =	shalt  }
0x68: {  	_ =	shalt  }
0x69: {  	_ =	shalt  }
0x6a: {  	_ =	shalt  }
0x6b: {  	_ =	shalt  }
0x6c: {  	_ =	shalt  }
0x6d: {  	_ =	shalt  }
0x6e: {  	_ =	shalt  }
0x6f: {  	_ =	shalt  }
0x70: {  	_ =	shalt  }
0x71: {  	_ =	shalt  }
0x72: {  	_ =	shalt  }
0x73: {  	_ =	shalt  }
0x74: {  	_ =	shalt  }
0x75: {  	_ =	shalt  }
0x76: {  	_ =	shalt  }
0x77: {  	_ =	shalt  }
0x78: {  	_ =	shalt  }
0x79: {  	_ =	shalt  }
0x7a: {  	_ =	shalt  }
0x7b: {  	_ =	shalt  }
0x7c: {  	_ =	shalt  }
0x7d: {  	_ =	shalt  }
0x7e: {  	_ =	shalt  }
0x7f: {  	_ =	shalt  }
0x80: {  	_ =	shalt  }
0x81: {  	_ =	shalt  }
0x82: {  	_ =	shalt  }
0x83: {  	_ =	shalt  }
0x84: {  	_ =	shalt  }
0x85: {  	_ =	shalt  }
0x86: {  	_ =	shalt  }
0x87: {  	_ =	shalt  }
.Lfunc_end0:
.L_simem_size_0:
called_computation.1_lowered:
.L_overlay_start_0:
0x88: {  	s2 =	sld [smem:$0x3FD9]  }
0x89: {  	s3 =	sld [smem:$0x3FFE];
	_ =	sdelay $0x1  }
0x8a: {  	s1 =	srdreg.scid  }
0x8b: {  	s0 =	sand.u32 $0x1, s1  }
0x8c: {  	s17 =	sshll.u32 s0, $0xA;
	s2 =	sadd.s32 s3, s2  }
0x8d: {  	s2 =	sadd.s32 s2, s17  }
0x8e: {  	[smem:$0x3FC2] =	sst s2  }
0x8f: {  	_ = 	snop  }
0x90: {  	s2 =	sld [smem:$0x3FD0];
	(tm) =	ssettm $0x1  }
0x91: {  	s18 =	sld [smem:$0x3FFB];
	_ =	sdelay $0x3  }
0x92: {  	_ =	strace s18  }
0x93: {  	s3 =	sld [smem:$0x3FFC];
	_ =	sdelay $0x3  }
0x94: {  	_ =	strace s3  }
0x95: {  	s3 =	sld [smem:$0x3FFD];
	_ =	sdelay $0x3  }
0x96: {  	_ =	strace s3  }
0x97: {  	_ =	strace $0x8FFFFFFF  }
0x98: {  	s19 =	sld [smem:$0x3FDB];
	_ =	sdelay $0x1  }
0x99: {  	s4 =	simm.s32 $_scs_section_size  }
0x9a: {  	s5 =	simm.s32 $_size__tile_overlayer_lowered;
	s6 =	simm.s32 $_tile_overlayer_lowered  }
0x9b: {  	s22 =	simm.s32 $0x1BFF;
	s21 =	sshll.u32 s6, $0x1;
	s3 =	sadd.s32 s4, s19  }
0x9c: {  	s7 =	simm.s32 $0x0;
	s20 =	sshll.u32 s5, $0x1;
	s5 =	sadd.s32 s21, s3  }
0x9d: {  	[timem:s7], [sflag:s22] =	dma.local [hbm:s5], s20  }
0x9e: {  	_ =	swait.ge [sflag:s22], s20  }
0x9f: {  	s4 =	ssub.s32 $0x0, s20;
	[sflag:s22] =	ssyncset.done $0x0  }
0xa0: {  	[sflag:s22] =	ssyncadd.s32 s4;
	_ =	sdelay $0x1  }
0xa1: {  	s23 =	simm.s32 $0x1B8B  }
0xa2: {  	_ =	swait.ge [sflag:s23], $0x1  }
0xa3: {  	[sflag:s23] =	ssyncset.done $0x0  }
0xa4: {  	s25 =	simm.s32 $0x1B8E;
	s24 =	sld [smem:$0x3FFE];
	[sflag:s23] =	ssyncadd.s32 $0xFFFFFFFF  }
0xa5: {  	s26 =	simm.s32 $execute0_lowered;
	[smem:$0x3FD2] =	sst s25  }
0xa6: {  	s5 =	sshll.u32 s26, $0x1;
	_ =	strace $0x80000049;
	[dreg:$0x1] =	wrdreg $0xFFFFFFFF  }
0xa7: {  	s28 =	simm.s32 $_size_execute0_lowered;
	s3 =	sadd.s32 s3, s5;
	[dreg:$0x0] =	wrdreg $0x0  }
0xa8: {  	s5 =	sshll.u32 s28, $0x1;
	[dreg:$0x2] =	wrdreg s3  }
0xa9: {  	[dreg:$0x3] =	wrdreg s5  }
0xaa: {  	[dreg:$0x4] =	wrdreg $0xC0  }
0xab: {  	_ =	task [dreg:s7], $0x5FFFF  }
0xac: {  	[dreg:$0x1] =	wrdreg $0xFFFFFFFF  }
0xad: {  	[dreg:$0x0] =	wrdreg $0x60  }
0xae: {  	[dreg:$0x2] =	wrdreg s2  }
0xaf: {  	[dreg:$0x3] =	wrdreg s24  }
0xb0: {  	[dreg:$0x4] =	wrdreg $0x9C000  }
0xb1: {  	[dreg:$0x5] =	wrdreg $0x9  }
0xb2: {  	_ =	task.clear_ibuf [dreg:s7], $0x6FFFF;
	_ =	strace $0x90000049  }
0xb3: {  	s29 =	simm.s32 $0x9;
	_ =	strace $0x8000004B  }
0xb4: {  	_ =	swait.ge [sflag:s29], $0x1  }
0xb5: {  	[sflag:s29] =	ssyncadd.s32 $0xFFFFFFFF  }
0xb6: {  	_ =	strace $0x9000004B  }
0xb7: {  	_ =	sfence  }
0xb8: {  	s30 =	sld [smem:$0x0];
	_ =	sdelay $0x2  }
0xb9: {  	s31 =	sshll.u32 s1, $0xD;
	s1 =	sshrl.u32 s1, $0x2  }
0xba: {  	s3 =	sand.u32 $0x4000, s31;
	s1 =	sadd.s32 s1, s30  }
0xbb: {  	s0 =	sor.u32 s3, s0;
	s1 =	sshll.u32 s1, $0x11  }
0xbc: {  	s0 =	sor.u32 s1, s0  }
0xbd: {  	s0 =	sadd.s32 $0x8F2B, s0  }
0xbe: {  	[sflag:s0] =	ssyncadd.remote.s32 $0x1  }
0xbf: {  	_ =	sfence.sel $0xFFFF  }
0xc0: {  	[dreg:$0x0] =	wrdreg $0xFFFFFFFF;
	(pc) =	sbr.abs _section_cstart, $3  }
0xc1: {  	[dreg:$0x1] =	wrdreg $0xFFFFFFFF  }
0xc2: {  	_ =	task.clear_ibuf [dreg:s7], $0x2FFFF;
	_ =	strace $0x9FFFFFFF  }
0xc3: {  	(tm) =	ssettm $0x7FFFFFFF  }
tec
execute0_lowered:
.L_overlay_start_1:
0x0: {  	(tag) =	ssettag $0x1  }
0x1: {  	s1 =	rddreg [dreg:$0x0]  }
0x2: {  	s0 =	rddreg [dreg:$0x1]  }
0x3: {  	s2 =	rddreg [dreg:$0x2];
	s9 =	stileid.u32  }
0x4: {  	s3 =	srdreg.scid;
	s5 =	simm.s32 $0x0;
	s8 =	smul.u32 $0x50000, s9  }
0x5: {  	s28 =	simm.s32 $0x6;
	s30 =	simm.s32 $0x28;
	s31 =	simm.s32 $0x80  }
0x6: {  	s3 =	sand.u32 $0x1, s3;
	[smem:$0x7FF] =	sst s5;
	s8 =	sshrl.u32 s8, $0x2  }
0x7: {  	s7 =	smul.u32 $0x14000, s9;
	s5 =	sadd.s32 $0x2EE00, s0;
	s29 =	sadd.s32 s8, s2  }
0x8: {  	_ =	strace $0x8000004A;
	s12 =	sadd.s32 $0x1400, s29;
	[dreg:$0x5] =	wrdreg s29  }
0x9: {  	s6 =	sadd.s32 $0xBE00, s0;
	s13 =	sadd.s32 $0x2800, s29;
	[dreg:$0x7] =	wrdreg s12  }
0xa: {  	s9 =	sshll.u32 s9, $0x1;
	s14 =	sadd.s32 $0x3C00, s29;
	[dreg:$0x8] =	wrdreg s13  }
0xb: {  	s4 =	smul.u32 $0x140000, s3;
	s15 =	sadd.s32 $0x5000, s29;
	[dreg:$0x9] =	wrdreg s14  }
0xc: {  	s26 =	ssub.s32 $0x2, s3;
	s16 =	sadd.s32 $0x6400, s29;
	[dreg:$0xa] =	wrdreg s15  }
0xd: {  	s3 =	sor.u32 s3, s9;
	s17 =	sadd.s32 $0x7800, s29;
	[dreg:$0xb] =	wrdreg s16  }
0xe: {  	s10 =	sshrl.u32 s26, $0x1;
	s18 =	sadd.s32 $0x8C00, s29;
	[dreg:$0xc] =	wrdreg s17  }
0xf: {  	s4 =	sadd.s32 s7, s4;
	s19 =	sadd.s32 $0xA000, s29;
	[dreg:$0xd] =	wrdreg s18  }
0x10: {  	s7 =	smul.u32 $0x8C00, s3;
	s20 =	sadd.s32 $0xB400, s29;
	[dreg:$0xe] =	wrdreg s19  }
0x11: {  	s3 =	simm.s32 $0x100;
	s21 =	sadd.s32 $0xC800, s29;
	[dreg:$0xf] =	wrdreg s20  }
0x12: {  	s8 =	simm.s32 $0x180;
	s22 =	sadd.s32 $0xDC00, s29;
	[dreg:$0x10] =	wrdreg s21  }
0x13: {  	s4 =	sshrl.u32 s4, $0x3;
	s23 =	sadd.s32 $0xF000, s29;
	[dreg:$0x11] =	wrdreg s22  }
0x14: {  	s24 =	sadd.s32 $0x10400, s29;
	s25 =	sadd.s32 $0x11800, s29;
	[dreg:$0x12] =	wrdreg s23  }
0x15: {  	s0 =	sadd.s32 s4, s0;
	s4 =	ssub.s32 s26, s10;
	[dreg:$0x13] =	wrdreg s24  }
0x16: {  	[dreg:$0x14] =	wrdreg s25;
	s26 =	sadd.s32 $0x12C00, s29;
	s10 =	simm.s32 $0x7400  }
0x17: {  	s12 =	simm.s32 $0x8800;
	s13 =	simm.s32 $0x1;
	s14 =	simm.s32 $0x2  }
0x18: {  	s15 =	simm.s32 $0x3;
	s16 =	simm.s32 $0x4;
	s17 =	simm.s32 $0x5  }
0x19: {  	s18 =	simm.s32 $0x3280;
	s19 =	simm.s32 $0x3300;
	s20 =	simm.s32 $0x3380  }
0x1a: {  	s21 =	simm.s32 $0x3400;
	s22 =	simm.s32 $0x3480;
	s23 =	simm.s32 $0x0  }
0x1b: {  	s0 =	sadd.s32 $0x51E00, s0;
	s11 =	smax.u32 s4, $0x1;
	[dreg:$0x15] =	wrdreg s26  }
0x1c: {  	s26 =	simm.s32 $0x3800;
	s4 =	simm.s32 $0x6000;
	[dreg:$0x4] =	wrdreg s0  }
0x1d: {  	v0 =	vimm.f32 $0.0e+00;
	[dreg:$0x6] =	wrdreg s11;
	s0 =	simm.s32 $0x4C00;
	s11 =	simm.s32 $0x200  }
.LBB2_1:
0x1e: {  	s25 =	simm.s32 $0x0  }
0x1f: {  	s9 =	sand.u32 $0x7E00, s25  }
0x20: {  	[dreg:$0x16] =	wrdreg s23;
	s23 =	sand.u32 $0x70, s25;
	s24 =	sshrl.u32 s9, $0x2  }
0x21: {  	s9 =	simm.s32 $0x40;
	s24 =	sor.u32 s23, s24;
	s23 =	simm.s32 $0x0  }
.LBB2_2:
0x22: {  	p0 =	sne.s32 s9, $0x4FC0  }
0x23: {  	[tilespmem:s24+$0x3800] =	vst v0;
	s23 =	sadd.s32 $0x10, s23;
	s24 =	smov.u32 s9;
	s9 =	sadd.s32 $0x40, s9  }
.Ltmp0:
0x24: {  	(pc) =	sbr.rel @p0 .LBB2_2-.Ltmp0, $4  }
0x25: {  	_ = 	snop  }
0x26: {  	s24 =	sand.u32 $0x7E00, s24  }
0x27: {  	s25 =	sand.u32 $0x70, s23;
	s24 =	sshrl.u32 s24, $0x2  }
0x28: {  	s24 =	sor.u32 s25, s24  }
0x29: {  	[tilespmem:s24+$0x3800] =	vst v0  }
0x2a: {  	[spmem:s29] =	stream.linear.scatter [tilespmem:s26], [sflag:$0x6], $0x1400, $0x38;
	[tilespmem:$0x1DC00] =	vst v63  }
0x2b: {  	_ =	swait.ge [sflag:s28], $0x1400  }
0x2c: {  	[sflag:s28] =	ssyncset.done $0x0  }
0x2d: {  	s9 =	rddreg [dreg:$0x7];
	[sflag:s28] =	ssyncadd.s32 $0xFFFFEC00  }
0x2e: {  	[spmem:s9] =	stream.linear.scatter [tilespmem:s26], [sflag:$0x6], $0x1400, $0x38;
	[tilespmem:$0x1DC00] =	vst v63  }
0x2f: {  	_ =	swait.ge [sflag:s28], $0x1400  }
0x30: {  	[sflag:s28] =	ssyncset.done $0x0  }
0x31: {  	s25 =	rddreg [dreg:$0x8];
	[sflag:s28] =	ssyncadd.s32 $0xFFFFEC00  }
0x32: {  	[spmem:s25] =	stream.linear.scatter [tilespmem:s26], [sflag:$0x6], $0x1400, $0x38;
	[tilespmem:$0x1DC00] =	vst v63  }
0x33: {  	_ =	swait.ge [sflag:s28], $0x1400  }
0x34: {  	[sflag:s28] =	ssyncset.done $0x0  }
0x35: {  	s29 =	rddreg [dreg:$0x9];
	[sflag:s28] =	ssyncadd.s32 $0xFFFFEC00  }
0x36: {  	[spmem:s29] =	stream.linear.scatter [tilespmem:s26], [sflag:$0x6], $0x1400, $0x38;
	[tilespmem:$0x1DC00] =	vst v63  }
0x37: {  	_ =	swait.ge [sflag:s28], $0x1400  }
0x38: {  	[sflag:s28] =	ssyncset.done $0x0  }
0x39: {  	s23 =	rddreg [dreg:$0xa];
	[sflag:s28] =	ssyncadd.s32 $0xFFFFEC00  }
0x3a: {  	[spmem:s23] =	stream.linear.scatter [tilespmem:s26], [sflag:$0x6], $0x1400, $0x38;
	[tilespmem:$0x1DC00] =	vst v63  }
0x3b: {  	_ =	swait.ge [sflag:s28], $0x1400  }
0x3c: {  	[sflag:s28] =	ssyncset.done $0x0  }
0x3d: {  	s24 =	rddreg [dreg:$0xb];
	[sflag:s28] =	ssyncadd.s32 $0xFFFFEC00  }
0x3e: {  	[spmem:s24] =	stream.linear.scatter [tilespmem:s26], [sflag:$0x6], $0x1400, $0x38;
	[tilespmem:$0x1DC00] =	vst v63  }
0x3f: {  	_ =	swait.ge [sflag:s28], $0x1400  }
0x40: {  	[sflag:s28] =	ssyncset.done $0x0  }
0x41: {  	s25 =	rddreg [dreg:$0xc];
	[sflag:s28] =	ssyncadd.s32 $0xFFFFEC00  }
0x42: {  	[spmem:s25] =	stream.linear.scatter [tilespmem:s26], [sflag:$0x6], $0x1400, $0x38;
	[tilespmem:$0x1DC00] =	vst v63  }
0x43: {  	_ =	swait.ge [sflag:s28], $0x1400  }
0x44: {  	[sflag:s28] =	ssyncset.done $0x0  }
0x45: {  	s29 =	rddreg [dreg:$0xd];
	[sflag:s28] =	ssyncadd.s32 $0xFFFFEC00  }
0x46: {  	[spmem:s29] =	stream.linear.scatter [tilespmem:s26], [sflag:$0x6], $0x1400, $0x38;
	[tilespmem:$0x1DC00] =	vst v63  }
0x47: {  	_ =	swait.ge [sflag:s28], $0x1400  }
0x48: {  	[sflag:s28] =	ssyncset.done $0x0  }
0x49: {  	s23 =	rddreg [dreg:$0xe];
	[sflag:s28] =	ssyncadd.s32 $0xFFFFEC00  }
0x4a: {  	[spmem:s23] =	stream.linear.scatter [tilespmem:s26], [sflag:$0x6], $0x1400, $0x38;
	[tilespmem:$0x1DC00] =	vst v63  }
0x4b: {  	_ =	swait.ge [sflag:s28], $0x1400  }
0x4c: {  	[sflag:s28] =	ssyncset.done $0x0  }
0x4d: {  	s24 =	rddreg [dreg:$0xf];
	[sflag:s28] =	ssyncadd.s32 $0xFFFFEC00  }
0x4e: {  	[spmem:s24] =	stream.linear.scatter [tilespmem:s26], [sflag:$0x6], $0x1400, $0x38;
	[tilespmem:$0x1DC00] =	vst v63  }
0x4f: {  	_ =	swait.ge [sflag:s28], $0x1400  }
0x50: {  	[sflag:s28] =	ssyncset.done $0x0  }
0x51: {  	s25 =	rddreg [dreg:$0x10];
	[sflag:s28] =	ssyncadd.s32 $0xFFFFEC00  }
0x52: {  	[spmem:s25] =	stream.linear.scatter [tilespmem:s26], [sflag:$0x6], $0x1400, $0x38;
	[tilespmem:$0x1DC00] =	vst v63  }
0x53: {  	_ =	swait.ge [sflag:s28], $0x1400  }
0x54: {  	[sflag:s28] =	ssyncset.done $0x0  }
0x55: {  	s29 =	rddreg [dreg:$0x11];
	[sflag:s28] =	ssyncadd.s32 $0xFFFFEC00  }
0x56: {  	[spmem:s29] =	stream.linear.scatter [tilespmem:s26], [sflag:$0x6], $0x1400, $0x38;
	[tilespmem:$0x1DC00] =	vst v63  }
0x57: {  	_ =	swait.ge [sflag:s28], $0x1400  }
0x58: {  	[sflag:s28] =	ssyncset.done $0x0  }
0x59: {  	s23 =	rddreg [dreg:$0x12];
	[sflag:s28] =	ssyncadd.s32 $0xFFFFEC00  }
0x5a: {  	[spmem:s23] =	stream.linear.scatter [tilespmem:s26], [sflag:$0x6], $0x1400, $0x38;
	[tilespmem:$0x1DC00] =	vst v63  }
0x5b: {  	_ =	swait.ge [sflag:s28], $0x1400  }
0x5c: {  	[sflag:s28] =	ssyncset.done $0x0  }
0x5d: {  	s24 =	rddreg [dreg:$0x13];
	[sflag:s28] =	ssyncadd.s32 $0xFFFFEC00  }
0x5e: {  	[spmem:s24] =	stream.linear.scatter [tilespmem:s26], [sflag:$0x6], $0x1400, $0x38;
	[tilespmem:$0x1DC00] =	vst v63  }
0x5f: {  	_ =	swait.ge [sflag:s28], $0x1400  }
0x60: {  	[sflag:s28] =	ssyncset.done $0x0  }
0x61: {  	s25 =	rddreg [dreg:$0x14];
	[sflag:s28] =	ssyncadd.s32 $0xFFFFEC00  }
0x62: {  	[spmem:s25] =	stream.linear.scatter [tilespmem:s26], [sflag:$0x6], $0x1400, $0x38;
	[tilespmem:$0x1DC00] =	vst v63  }
0x63: {  	_ =	swait.ge [sflag:s28], $0x1400  }
0x64: {  	[sflag:s28] =	ssyncset.done $0x0  }
0x65: {  	s29 =	rddreg [dreg:$0x15];
	[sflag:s28] =	ssyncadd.s32 $0xFFFFEC00  }
0x66: {  	[spmem:s29] =	stream.linear.scatter [tilespmem:s26], [sflag:$0x6], $0x1400, $0x38;
	[tilespmem:$0x1DC00] =	vst v63  }
0x67: {  	_ =	swait.ge [sflag:s28], $0x1400  }
0x68: {  	[sflag:s28] =	ssyncset.done $0x0  }
0x69: {  	[sflag:s28] =	ssyncadd.s32 $0xFFFFEC00  }
0x6a: {  	s24 =	simm.s32 $0x0;
	s25 =	simm.s32 $0x0;
	[bflag:$0x0] =	sbarrier.arrive $0xFFFF  }
.LBB2_4:
0x6b: {  	s9 =	smul.u32 $0x1C00, s25;
	_ =	sdelay $0x1  }
0x6c: {  	s9 =	sadd.s32 s7, s9  }
0x6d: {  	s9 =	sshrl.u32 s9, $0x3  }
0x6e: {  	s23 =	sadd.s32 s5, s9  }
0x6f: {  	[tilespmem:s24], [sflag:$0x6] =	stream.linear.gather [hbm4b:s23+s24], $0x1900, $0x38;
	[tilespmem:$0x1DC00] =	vst v63  }
0x70: {  	_ =	swait.ge [sflag:s28], $0x1900  }
0x71: {  	[sflag:s28] =	ssyncset.done $0x0  }
0x72: {  	s29 =	simm.s32 $0x1C00;
	s9 =	sadd.s32 s6, s9;
	[sflag:s28] =	ssyncadd.s32 $0xFFFFE700  }
0x73: {  	[tilespmem:s29], [sflag:$0x6] =	stream.linear.gather [hbm4b:s9+s24], $0x1900, $0x38;
	[tilespmem:$0x1DC00] =	vst v63  }
0x74: {  	_ =	swait.ge [sflag:s28], $0x1900  }
0x75: {  	[sflag:s28] =	ssyncset.done $0x0  }
0x76: {  	[sflag:s28] =	ssyncadd.s32 $0xFFFFE700  }
0x77: {  	[tilespmem:s26], [sflag:$0x1] =	stream.indirect.gather [hbm4b:s1+s30], $0x80, s24, s30, $0xb8;
	[tilespmem:$0x1DC00] =	vst v63  }
0x78: {  	_ = 	snop  }
0x79: {  	[tilespmem:s0], [sflag:$0x2] =	stream.indirect.gather [hbm4b:s1+s30], $0x80, s31, s30, $0xb8;
	[tilespmem:$0x1DC00] =	vst v63  }
0x7a: {  	_ = 	snop  }
0x7b: {  	[tilespmem:s4], [sflag:$0x3] =	stream.indirect.gather [hbm4b:s1+s30], $0x80, s3, s30, $0xb8;
	[tilespmem:$0x1DC00] =	vst v63  }
0x7c: {  	_ = 	snop  }
0x7d: {  	[tilespmem:s10], [sflag:$0x4] =	stream.indirect.gather [hbm4b:s1+s30], $0x80, s8, s30, $0xb8;
	[tilespmem:$0x1DC00] =	vst v63  }
0x7e: {  	_ = 	snop  }
0x7f: {  	[tilespmem:s12], [sflag:$0x5] =	stream.indirect.gather [hbm4b:s1+s30], $0x80, s11, s30, $0xb8;
	[tilespmem:$0x1DC00] =	vst v63  }
0x80: {  	_ =	swait.ge [sflag:s13], $0x1400  }
0x81: {  	[sflag:s13] =	ssyncset.done $0x0  }
0x82: {  	s29 =	simm.s32 $0x1C00;
	[sflag:s13] =	ssyncadd.s32 $0xFFFFEC00  }
0x83: {  	[spmem:s2] =	stream.indirect.scatter.add.f32 [tilespmem:s26], [sflag:$0x6], $0x80, s29, s30, $0xb8;
	[tilespmem:$0x1DC00] =	vst v63  }
0x84: {  	_ =	swait.ge [sflag:s28], $0x1400  }
0x85: {  	[sflag:s28] =	ssyncset.done $0x0  }
0x86: {  	s23 =	simm.s32 $0x280;
	[sflag:s28] =	ssyncadd.s32 $0xFFFFEC00  }
0x87: {  	[tilespmem:s26], [sflag:$0x1] =	stream.indirect.gather [hbm4b:s1+s30], $0x80, s23, s30, $0xb8;
	[tilespmem:$0x1DC00] =	vst v63  }
0x88: {  	_ =	swait.ge [sflag:s14], $0x1400  }
0x89: {  	[sflag:s14] =	ssyncset.done $0x0  }
0x8a: {  	s29 =	simm.s32 $0x1C80;
	[sflag:s14] =	ssyncadd.s32 $0xFFFFEC00  }
0x8b: {  	[spmem:s2] =	stream.indirect.scatter.add.f32 [tilespmem:s0], [sflag:$0x6], $0x80, s29, s30, $0xb8;
	[tilespmem:$0x1DC00] =	vst v63  }
0x8c: {  	_ =	swait.ge [sflag:s28], $0x1400  }
0x8d: {  	[sflag:s28] =	ssyncset.done $0x0  }
0x8e: {  	s23 =	simm.s32 $0x300;
	[sflag:s28] =	ssyncadd.s32 $0xFFFFEC00  }
0x8f: {  	[tilespmem:s0], [sflag:$0x2] =	stream.indirect.gather [hbm4b:s1+s30], $0x80, s23, s30, $0xb8;
	[tilespmem:$0x1DC00] =	vst v63  }
0x90: {  	_ =	swait.ge [sflag:s15], $0x1400  }
0x91: {  	[sflag:s15] =	ssyncset.done $0x0  }
0x92: {  	s29 =	simm.s32 $0x1D00;
	[sflag:s15] =	ssyncadd.s32 $0xFFFFEC00  }
0x93: {  	[spmem:s2] =	stream.indirect.scatter.add.f32 [tilespmem:s4], [sflag:$0x6], $0x80, s29, s30, $0xb8;
	[tilespmem:$0x1DC00] =	vst v63  }
0x94: {  	_ =	swait.ge [sflag:s28], $0x1400  }
0x95: {  	[sflag:s28] =	ssyncset.done $0x0  }
0x96: {  	s23 =	simm.s32 $0x380;
	[sflag:s28] =	ssyncadd.s32 $0xFFFFEC00  }
0x97: {  	[tilespmem:s4], [sflag:$0x3] =	stream.indirect.gather [hbm4b:s1+s30], $0x80, s23, s30, $0xb8;
	[tilespmem:$0x1DC00] =	vst v63  }
0x98: {  	_ =	swait.ge [sflag:s16], $0x1400  }
0x99: {  	[sflag:s16] =	ssyncset.done $0x0  }
0x9a: {  	s29 =	simm.s32 $0x1D80;
	[sflag:s16] =	ssyncadd.s32 $0xFFFFEC00  }
0x9b: {  	[spmem:s2] =	stream.indirect.scatter.add.f32 [tilespmem:s10], [sflag:$0x6], $0x80, s29, s30, $0xb8;
	[tilespmem:$0x1DC00] =	vst v63  }
0x9c: {  	_ =	swait.ge [sflag:s28], $0x1400  }
0x9d: {  	[sflag:s28] =	ssyncset.done $0x0  }
0x9e: {  	s23 =	simm.s32 $0x400;
	[sflag:s28] =	ssyncadd.s32 $0xFFFFEC00  }
0x9f: {  	[tilespmem:s10], [sflag:$0x4] =	stream.indirect.gather [hbm4b:s1+s30], $0x80, s23, s30, $0xb8;
	[tilespmem:$0x1DC00] =	vst v63  }
0xa0: {  	_ =	swait.ge [sflag:s17], $0x1400  }
0xa1: {  	[sflag:s17] =	ssyncset.done $0x0  }
0xa2: {  	s29 =	simm.s32 $0x1E00;
	[sflag:s17] =	ssyncadd.s32 $0xFFFFEC00  }
0xa3: {  	[spmem:s2] =	stream.indirect.scatter.add.f32 [tilespmem:s12], [sflag:$0x6], $0x80, s29, s30, $0xb8;
	[tilespmem:$0x1DC00] =	vst v63  }
0xa4: {  	_ =	swait.ge [sflag:s28], $0x1400  }
0xa5: {  	[sflag:s28] =	ssyncset.done $0x0  }
0xa6: {  	s9 =	simm.s32 $0xA00;
	s23 =	simm.s32 $0x480;
	[sflag:s28] =	ssyncadd.s32 $0xFFFFEC00  }
.LBB2_5:
0xa7: {  	[tilespmem:s12], [sflag:$0x5] =	stream.indirect.gather [hbm4b:s1+s30], $0x80, s23, s30, $0xb8;
	[tilespmem:$0x1DC00] =	vst v63  }
0xa8: {  	s23 =	smov.u32 s9  }
0xa9: {  	p0 =	sne.s32 s9, $0x5000;
	s9 =	sadd.s32 $0xA00, s9;
	_ =	swait.ge [sflag:s13], $0x1400  }
0xaa: {  	s23 =	sshra.s32 s23, $0x2;
	[sflag:s13] =	ssyncset.done $0x0  }
0xab: {  	s29 =	sadd.s32 $0x1C00, s23;
	[sflag:s13] =	ssyncadd.s32 $0xFFFFEC00  }
0xac: {  	[spmem:s2] =	stream.indirect.scatter.add.f32 [tilespmem:s26], [sflag:$0x6], $0x80, s29, s30, $0xb8;
	[tilespmem:$0x1DC00] =	vst v63  }
0xad: {  	_ =	swait.ge [sflag:s28], $0x1400  }
0xae: {  	[sflag:s28] =	ssyncset.done $0x0  }
0xaf: {  	s29 =	sadd.s32 $0x280, s23;
	[sflag:s28] =	ssyncadd.s32 $0xFFFFEC00  }
0xb0: {  	[tilespmem:s26], [sflag:$0x1] =	stream.indirect.gather [hbm4b:s1+s30], $0x80, s29, s30, $0xb8;
	[tilespmem:$0x1DC00] =	vst v63  }
0xb1: {  	_ =	swait.ge [sflag:s14], $0x1400  }
0xb2: {  	[sflag:s14] =	ssyncset.done $0x0  }
0xb3: {  	s29 =	sadd.s32 $0x1C80, s23;
	[sflag:s14] =	ssyncadd.s32 $0xFFFFEC00  }
0xb4: {  	[spmem:s2] =	stream.indirect.scatter.add.f32 [tilespmem:s0], [sflag:$0x6], $0x80, s29, s30, $0xb8;
	[tilespmem:$0x1DC00] =	vst v63  }
0xb5: {  	_ =	swait.ge [sflag:s28], $0x1400  }
0xb6: {  	[sflag:s28] =	ssyncset.done $0x0  }
0xb7: {  	s29 =	sadd.s32 $0x300, s23;
	[sflag:s28] =	ssyncadd.s32 $0xFFFFEC00  }
0xb8: {  	[tilespmem:s0], [sflag:$0x2] =	stream.indirect.gather [hbm4b:s1+s30], $0x80, s29, s30, $0xb8;
	[tilespmem:$0x1DC00] =	vst v63  }
0xb9: {  	_ =	swait.ge [sflag:s15], $0x1400  }
0xba: {  	[sflag:s15] =	ssyncset.done $0x0  }
0xbb: {  	s29 =	sadd.s32 $0x1D00, s23;
	[sflag:s15] =	ssyncadd.s32 $0xFFFFEC00  }
0xbc: {  	[spmem:s2] =	stream.indirect.scatter.add.f32 [tilespmem:s4], [sflag:$0x6], $0x80, s29, s30, $0xb8;
	[tilespmem:$0x1DC00] =	vst v63  }
0xbd: {  	_ =	swait.ge [sflag:s28], $0x1400  }
0xbe: {  	[sflag:s28] =	ssyncset.done $0x0  }
0xbf: {  	s29 =	sadd.s32 $0x380, s23;
	[sflag:s28] =	ssyncadd.s32 $0xFFFFEC00  }
0xc0: {  	[tilespmem:s4], [sflag:$0x3] =	stream.indirect.gather [hbm4b:s1+s30], $0x80, s29, s30, $0xb8;
	[tilespmem:$0x1DC00] =	vst v63  }
0xc1: {  	_ =	swait.ge [sflag:s16], $0x1400  }
0xc2: {  	[sflag:s16] =	ssyncset.done $0x0  }
0xc3: {  	s29 =	sadd.s32 $0x1D80, s23;
	[sflag:s16] =	ssyncadd.s32 $0xFFFFEC00  }
0xc4: {  	[spmem:s2] =	stream.indirect.scatter.add.f32 [tilespmem:s10], [sflag:$0x6], $0x80, s29, s30, $0xb8;
	[tilespmem:$0x1DC00] =	vst v63  }
0xc5: {  	_ =	swait.ge [sflag:s28], $0x1400  }
0xc6: {  	[sflag:s28] =	ssyncset.done $0x0  }
0xc7: {  	s29 =	sadd.s32 $0x400, s23;
	[sflag:s28] =	ssyncadd.s32 $0xFFFFEC00  }
0xc8: {  	[tilespmem:s10], [sflag:$0x4] =	stream.indirect.gather [hbm4b:s1+s30], $0x80, s29, s30, $0xb8;
	[tilespmem:$0x1DC00] =	vst v63  }
0xc9: {  	_ =	swait.ge [sflag:s17], $0x1400  }
0xca: {  	[sflag:s17] =	ssyncset.done $0x0  }
.Ltmp1:
0xcb: {  	s29 =	sadd.s32 $0x1E00, s23;
	[sflag:s17] =	ssyncadd.s32 $0xFFFFEC00;
	(pc) =	sbr.rel @p0 .LBB2_5-.Ltmp1, $4  }
0xcc: {  	[spmem:s2] =	stream.indirect.scatter.add.f32 [tilespmem:s12], [sflag:$0x6], $0x80, s29, s30, $0xb8;
	[tilespmem:$0x1DC00] =	vst v63  }
0xcd: {  	_ =	swait.ge [sflag:s28], $0x1400  }
0xce: {  	[sflag:s28] =	ssyncset.done $0x0  }
0xcf: {  	s23 =	sadd.s32 $0x480, s23;
	[sflag:s28] =	ssyncadd.s32 $0xFFFFEC00  }
0xd0: {  	[tilespmem:s12], [sflag:$0x5] =	stream.indirect.gather [hbm4b:s1+s30], $0x80, s23, s30, $0xb8;
	[tilespmem:$0x1DC00] =	vst v63  }
0xd1: {  	_ =	swait.ge [sflag:s13], $0x1400  }
0xd2: {  	[sflag:s13] =	ssyncset.done $0x0  }
0xd3: {  	[sflag:s13] =	ssyncadd.s32 $0xFFFFEC00  }
0xd4: {  	[spmem:s2] =	stream.indirect.scatter.add.f32 [tilespmem:s26], [sflag:$0x6], $0x80, s18, s30, $0xb8;
	[tilespmem:$0x1DC00] =	vst v63  }
0xd5: {  	_ =	swait.ge [sflag:s28], $0x1400  }
0xd6: {  	[sflag:s28] =	ssyncset.done $0x0  }
0xd7: {  	[sflag:s28] =	ssyncadd.s32 $0xFFFFEC00  }
0xd8: {  	_ =	swait.ge [sflag:s14], $0x1400  }
0xd9: {  	[sflag:s14] =	ssyncset.done $0x0  }
0xda: {  	[sflag:s14] =	ssyncadd.s32 $0xFFFFEC00  }
0xdb: {  	[spmem:s2] =	stream.indirect.scatter.add.f32 [tilespmem:s0], [sflag:$0x6], $0x80, s19, s30, $0xb8;
	[tilespmem:$0x1DC00] =	vst v63  }
0xdc: {  	_ =	swait.ge [sflag:s28], $0x1400  }
0xdd: {  	[sflag:s28] =	ssyncset.done $0x0  }
0xde: {  	[sflag:s28] =	ssyncadd.s32 $0xFFFFEC00  }
0xdf: {  	_ =	swait.ge [sflag:s15], $0x1400  }
0xe0: {  	[sflag:s15] =	ssyncset.done $0x0  }
0xe1: {  	[sflag:s15] =	ssyncadd.s32 $0xFFFFEC00  }
0xe2: {  	[spmem:s2] =	stream.indirect.scatter.add.f32 [tilespmem:s4], [sflag:$0x6], $0x80, s20, s30, $0xb8;
	[tilespmem:$0x1DC00] =	vst v63  }
0xe3: {  	_ =	swait.ge [sflag:s28], $0x1400  }
0xe4: {  	[sflag:s28] =	ssyncset.done $0x0  }
0xe5: {  	[sflag:s28] =	ssyncadd.s32 $0xFFFFEC00  }
0xe6: {  	_ =	swait.ge [sflag:s16], $0x1400  }
0xe7: {  	[sflag:s16] =	ssyncset.done $0x0  }
0xe8: {  	[sflag:s16] =	ssyncadd.s32 $0xFFFFEC00  }
0xe9: {  	[spmem:s2] =	stream.indirect.scatter.add.f32 [tilespmem:s10], [sflag:$0x6], $0x80, s21, s30, $0xb8;
	[tilespmem:$0x1DC00] =	vst v63  }
0xea: {  	_ =	swait.ge [sflag:s28], $0x1400  }
0xeb: {  	[sflag:s28] =	ssyncset.done $0x0  }
0xec: {  	[sflag:s28] =	ssyncadd.s32 $0xFFFFEC00  }
0xed: {  	s25 =	sadd.s32 $0x1, s25;
	_ =	swait.ge [sflag:s17], $0x1400  }
0xee: {  	p0 =	sne.s32 s25, $0x5;
	[sflag:s17] =	ssyncset.done $0x0  }
.Ltmp2:
0xef: {  	[sflag:s17] =	ssyncadd.s32 $0xFFFFEC00;
	(pc) =	sbr.rel @p0 .LBB2_4-.Ltmp2, $4  }
0xf0: {  	[spmem:s2] =	stream.indirect.scatter.add.f32 [tilespmem:s12], [sflag:$0x6], $0x80, s22, s30, $0xb8;
	[tilespmem:$0x1DC00] =	vst v63  }
0xf1: {  	_ =	swait.ge [sflag:s28], $0x1400  }
0xf2: {  	[sflag:s28] =	ssyncset.done $0x0  }
0xf3: {  	[sflag:s28] =	ssyncadd.s32 $0xFFFFEC00  }
0xf4: {  	s9 =	stileid.u32;
	[bflag:$0x0] =	sbarrier.arrive $0xFFFF  }
0xf5: {  	s9 =	sshll.u32 s9, $0x6;
	s29 =	rddreg [dreg:$0x5]  }
0xf6: {  	s24 =	rddreg [dreg:$0x4];
	s9 =	sor.u32 $0x1C06, s9;
	s23 =	sshrl.u32 s29, $0x3  }
0xf7: {  	[hbm:s24], [sflag:s9] =	dma.local [spmem:s23], $0x2800  }
0xf8: {  	_ =	swait.ge [sflag:s28], $0x2800  }
0xf9: {  	s24 =	rddreg [dreg:$0x16]  }
0xfa: {  	s25 =	rddreg [dreg:$0x6];
	s23 =	sadd.s32 $0x1, s24  }
0xfb: {  	p0 =	sne.s32 s23, s25  }
.Ltmp3:
0xfc: {  	_ = 	snop;
	(pc) =	sbr.rel @p0 .LBB2_1-.Ltmp3, $3  }
0xfd: {  	_ =	sdelay $0x1  }
0xfe: {  	[sflag:s28] =	ssyncset.done $0x0  }
0xff: {  	[sflag:s28] =	ssyncadd.s32 $0xFFFFD800  }
0x100: {  	_ =	sfence.sel $0x180000  }
0x101: {  	[bflag:$0x0] =	sbarrier.arrive $0xFFFF  }
0x102: {  	_ =	strace $0x9000004A  }
0x103: {  	s0 =	stileid.u32;
	[bflag:$0x2] =	sbarrier.arrive $0xFFFF  }
0x104: {  	p0 =	sne.s32 s0, $0x0;
	s0 =	rddreg [dreg:$0x3]  }
0x105: {  	s0 =	sadd.s32 @!p0 $0x100000, s0  }
0x106: {  	[sflag:s0] =	ssyncadd.tile.s32 @!p0 $0x1;
	_ =	shalt  }
.Lfunc_end2:
_tile_overlayer_lowered:
.L_overlay_start_2:
0x107: {  	(tag) =	ssettag $0x2  }
0x108: {  	s0 =	rddreg [dreg:$0x0];
	s2 =	stileid.u32  }
0x109: {  	s1 =	rddreg [dreg:$0x1];
	p0 =	sne.s32 s2, $0x0  }
0x10a: {  	s3 =	rddreg [dreg:$0x2];
	[bflag:$0x3] =	sbarrier.arrive $0xFFFF;
	s2 =	simm.s32 @!p0 $0x1C06  }
0x10b: {  	[timem:s3], [sflag:s2] =	dma.local @!p0 [hbm:s0], s1  }
0x10c: {  	s0 =	simm.s32 @!p0 $0x6  }
0x10d: {  	_ =	swait.ge @!p0 [sflag:s0], s1  }
0x10e: {  	s1 =	ssub.s32 @!p0 $0x0, s1;
	[sflag:s0] =	ssyncset.done @!p0 $0x0  }
0x10f: {  	[sflag:s0] =	ssyncadd.s32 @!p0 s1  }
0x110: {  	[bflag:$0x3] =	sbarrier.arrive $0xFFFF  }
0x111: {  	_ =	shalt  }

</sc_bundles>
